<compile_context>
chip_gen: v7x
topology: tpu7x:2x2x1
jax: 0.10.2.dev20260603
libtpu: 0.0.44.dev20260713+nightly
codegen_flags: <defaults>
</compile_context>

<pallas_src>
import functools

import jax
import jax.numpy as jnp
from jax import lax
from jax.experimental import pallas as pl
from jax.experimental.pallas import tpu as pltpu
from jax.experimental.pallas import tpu_sc as plsc

B = 16
S = 512
NLM = 5000
NPAIRS = B * NLM
NTILES = 32
LANES = 16
PAIRS = NPAIRS // NTILES
WIN = 2504
PAD = 2512
NVEC = PAD // LANES
TOTAL = NPAIRS * 2
PLANE = S * S


def _sc_body(flow_hbm, x_hbm, y_hbm, sx_hbm, sy_hbm, g0_hbm, g1_hbm, out_hbm,
             x_v, y_v, sx_v, sy_v, g0_v, g1_v, idx_v, pts_v, row_v, sem):
    cid = lax.axis_index("c")
    sid = lax.axis_index("s")
    wid = cid * 16 + sid
    batch = wid // 2
    half = wid % 2
    w0 = half * (NLM - WIN)
    lo = half * 4
    plane0 = batch * (2 * PLANE)

    for src, buf in zip((x_hbm, y_hbm, sx_hbm, sy_hbm, g0_hbm, g1_hbm),
                        (x_v, y_v, sx_v, sy_v, g0_v, g1_v)):
        pltpu.sync_copy(src.at[pl.ds(batch * NLM + w0, WIN)],
                        buf.at[pl.ds(0, WIN)])

    lanes = lax.iota(jnp.int32, 16)

    def idx_at(v, masked):
        off = v * LANES
        x = x_v[pl.ds(off, LANES)]
        y = y_v[pl.ds(off, LANES)]
        within = (((y >> 3) * 4 + (x >> 7)) << 10) + ((y & 7) << 7) + (x & 127)
        idx0 = plane0 + within
        if masked:
            idx0 = jnp.where(off + lanes < WIN, idx0, 0)
        idx_v[pl.ds(off, LANES)] = idx0
        idx_v[pl.ds(PAD + off, LANES)] = idx0 + PLANE

    def idx_body(v, _):
        idx_at(v, False)
        return 0

    idx_at(0, False)
    lax.fori_loop(1, NVEC - 1, idx_body, 0)
    idx_at(NVEC - 1, True)

    pltpu.async_copy(flow_hbm.at[idx_v], pts_v, sem).wait()

    inv_half_s = jnp.float32(2.0 / S)
    scale = jnp.float32(1.0 / TOTAL)

    def sq_at(v, masked):
        off = v * LANES
        g0 = plsc.bitcast(g0_v[pl.ds(off, LANES)], jnp.float32)
        g1 = plsc.bitcast(g1_v[pl.ds(off, LANES)], jnp.float32)
        s0 = sx_v[pl.ds(off, LANES)]
        s1 = sy_v[pl.ds(off, LANES)]
        gt0 = s0.astype(jnp.float32) * inv_half_s - 1.0
        gt1 = s1.astype(jnp.float32) * inv_half_s - 1.0
        pt0 = pts_v[pl.ds(off, LANES)]
        pt1 = pts_v[pl.ds(PAD + off, LANES)]
        d0 = pt0 * g0 - gt0 * g0
        d1 = pt1 * g1 - gt1 * g1
        sq = d0 * d0 + d1 * d1
        if masked:
            p = off + lanes
            sq = jnp.where((p >= lo) & (p < lo + PAIRS), sq, jnp.float32(0.0))
        return sq

    def acc_body(v, acc):
        return acc + sq_at(v, False)

    acc = sq_at(0, True)
    acc = lax.fori_loop(1, NVEC - 1, acc_body, acc)
    acc = acc + sq_at(NVEC - 1, True)

    row_v[...] = acc * scale
    pltpu.sync_copy(row_v, out_hbm.at[wid])


@jax.jit
def _landmark_loss(flow_flat, x_f, y_f, sx_f, sy_f, g0_f, g1_f):
    mesh = plsc.VectorSubcoreMesh(core_axis_name="c", subcore_axis_name="s")
    run = functools.partial(
        pl.kernel,
        out_type=jax.ShapeDtypeStruct((NTILES, 16), jnp.float32),
        mesh=mesh,
        scratch_types=[
            pltpu.VMEM((PAD,), jnp.int32),
            pltpu.VMEM((PAD,), jnp.int32),
            pltpu.VMEM((PAD,), jnp.int32),
            pltpu.VMEM((PAD,), jnp.int32),
            pltpu.VMEM((PAD,), jnp.int32),
            pltpu.VMEM((PAD,), jnp.int32),
            pltpu.VMEM((2 * PAD,), jnp.int32),
            pltpu.VMEM((2 * PAD,), jnp.float32),
            pltpu.VMEM((16,), jnp.float32),
            pltpu.SemaphoreType.DMA,
        ],
        compiler_params=pltpu.CompilerParams(needs_layout_passes=False),
    )(_sc_body)
    partials = run(flow_flat, x_f, y_f, sx_f, sy_f, g0_f, g1_f)
    return jnp.sum(partials)


def kernel(flow, lm_S, lm_F, gate):
    flow_t = (
        flow.reshape(B, 2, S // 8, 8, S // 128, 128)
        .transpose(0, 1, 2, 4, 3, 5)
        .reshape(-1)
    )
    gate_i = jax.lax.bitcast_convert_type(gate, jnp.int32)
    return _landmark_loss(
        flow_t,
        lm_F[:, :, 0].reshape(-1),
        lm_F[:, :, 1].reshape(-1),
        lm_S[:, :, 0].reshape(-1),
        lm_S[:, :, 1].reshape(-1),
        gate_i[:, :, 0].reshape(-1),
        gate_i[:, :, 1].reshape(-1),
    )

# --- scband reference (transcript-rebuilt; emitter-appended) ---
"""Pipeline reference for scband-landmark-loss-37787122270800 (READ-ONLY COPY).

The authoritative reference and input builder live on the scoring server;
editing this copy changes nothing except your own understanding.
"""

import jax, jax.numpy as jnp
import numpy as np


def setup_inputs(seed: int = 0) -> dict:
    key = jax.random.key(seed)
    k1, k2, k3, k4 = jax.random.split(key, 4)
    b, s, n_lm = 16, 512, 5000
    flow = jax.random.normal(k1, (b, 2, s, s), dtype=jnp.float32)
    lm_S = jax.random.randint(k2, (b, n_lm, 2), 0, s, dtype=jnp.int32)
    lm_F = jax.random.randint(k3, (b, n_lm, 2), 0, s, dtype=jnp.int32)
    gate = jax.random.uniform(k4, (b, n_lm, 2), dtype=jnp.float32)
    return {"flow": flow, "lm_S": lm_S, "lm_F": lm_F, "gate": gate}


def reference(flow, lm_S, lm_F, gate):
    b = flow.shape[0]
    s = flow.shape[2]
    # flow.transpose(1,2).transpose(2,3).view(b, -1, 2) == NHWC flatten
    flow_view = jnp.transpose(flow, (0, 2, 3, 1)).reshape(b, -1, 2)
    index = lm_F[:, :, 0:1] + lm_F[:, :, 1:2] * s
    index = jnp.concatenate((index, index), axis=2)
    # torch.gather(flow_view, 1, index): out[i,j,k] = flow_view[i, index[i,j,k], k]
    flow_points = jnp.take_along_axis(flow_view, index, axis=1)
    gt_points = lm_S.astype(jnp.float32) / (s / 2.0) - 1.0
    diff = flow_points * gate - gt_points * gate
    return jnp.mean(diff * diff)

if __name__ == "__main__":
    import jax
    _d = setup_inputs()
    print(jax.jit(kernel)(*tuple(_d.values())))

</pallas_src>

<mosaic_0001>
#map = affine_map<(d0, d1) -> (0)>
#map1 = affine_map<(d0, d1) -> (0, 0)>
module attributes {stable_mosaic.version = 14 : i64} {
  func.func @_sc_body(%arg0: i32, %arg1: i32, %arg2: memref<8388608xf32, #tpu.memory_space<hbm>>, %arg3: memref<80000xi32, #tpu.memory_space<hbm>>, %arg4: memref<80000xi32, #tpu.memory_space<hbm>>, %arg5: memref<80000xi32, #tpu.memory_space<hbm>>, %arg6: memref<80000xi32, #tpu.memory_space<hbm>>, %arg7: memref<80000xi32, #tpu.memory_space<hbm>>, %arg8: memref<80000xi32, #tpu.memory_space<hbm>>, %arg9: memref<32x16xf32, #tpu.memory_space<hbm>>, %arg10: memref<2512xi32, #tpu.memory_space<vmem>>, %arg11: memref<2512xi32, #tpu.memory_space<vmem>>, %arg12: memref<2512xi32, #tpu.memory_space<vmem>>, %arg13: memref<2512xi32, #tpu.memory_space<vmem>>, %arg14: memref<2512xi32, #tpu.memory_space<vmem>>, %arg15: memref<2512xi32, #tpu.memory_space<vmem>>, %arg16: memref<5024xi32, #tpu.memory_space<vmem>>, %arg17: memref<5024xf32, #tpu.memory_space<vmem>>, %arg18: memref<16xf32, #tpu.memory_space<vmem>>, %arg19: memref<!tpu.dma_semaphore, #tpu.memory_space<semaphore_mem>>) attributes {dimension_semantics = [#tpu.dimension_semantics<core_parallel>, #tpu.dimension_semantics<subcore_parallel>], iteration_bounds = array<i64: 2, 16>, scalar_prefetch = 0 : i64, scratch_operands = 10 : i64, tpu.core_type = #tpu.core_type<sc_vector_subcore>, window_params = [{transform_indices = #map}, {transform_indices = #map}, {transform_indices = #map}, {transform_indices = #map}, {transform_indices = #map}, {transform_indices = #map}, {transform_indices = #map}, {transform_indices = #map1}]} {
    %mul3A = arith.constant 16 : i32
    %mul3A_0 = arith.muli %arg0, %mul3A : i32
    %add3A = arith.addi %mul3A_0, %arg1 : i32
    %jit3A = arith.constant 2 : i32
    %div3A = arith.divsi %add3A, %jit3A : i32
    %sign3A = arith.constant 0 : i32
    %sign3A_1 = arith.cmpi sgt, %add3A, %sign3A : i32
    %sign3A_2 = arith.extui %sign3A_1 : i1 to i32
    %sign3A_3 = arith.constant 0 : i32
    %sign3A_4 = arith.cmpi slt, %add3A, %sign3A_3 : i32
    %sign3A_5 = arith.extui %sign3A_4 : i1 to i32
    %sign3A_6 = arith.subi %sign3A_2, %sign3A_5 : i32
    %sign3A_7 = arith.constant 0 : i32
    %sign3A_8 = arith.cmpi sgt, %jit3A, %sign3A_7 : i32
    %sign3A_9 = arith.extui %sign3A_8 : i1 to i32
    %sign3A_10 = arith.constant 0 : i32
    %sign3A_11 = arith.cmpi slt, %jit3A, %sign3A_10 : i32
    %sign3A_12 = arith.extui %sign3A_11 : i1 to i32
    %sign3A_13 = arith.subi %sign3A_9, %sign3A_12 : i32
    %ne3A = arith.cmpi ne, %sign3A_6, %sign3A_13 : i32
    %rem3A = arith.remsi %add3A, %jit3A : i32
    %ne3A_14 = arith.constant 0 : i32
    %ne3A_15 = arith.cmpi ne, %rem3A, %ne3A_14 : i32
    %and3A = arith.andi %ne3A, %ne3A_15 : i1
    %sub3A = arith.constant 1 : i32
    %sub3A_16 = arith.subi %div3A, %sub3A : i32
    %select_n3A = arith.select %and3A, %sub3A_16, %div3A : i32
    %jit3A_17 = arith.constant 2 : i32
    %eq3A = arith.constant 0 : i32
    %eq3A_18 = arith.cmpi eq, %jit3A_17, %eq3A : i32
    %jit3A_19 = arith.constant 1 : i32
    %select_n3A_20 = arith.select %eq3A_18, %jit3A_19, %jit3A_17 : i32
    %rem3A_21 = arith.remsi %add3A, %select_n3A_20 : i32
    %ne3A_22 = arith.constant 0 : i32
    %ne3A_23 = arith.cmpi ne, %rem3A_21, %ne3A_22 : i32
    %lt3A = arith.constant 0 : i32
    %lt3A_24 = arith.cmpi slt, %rem3A_21, %lt3A : i32
    %lt3A_25 = arith.constant 0 : i32
    %lt3A_26 = arith.cmpi slt, %select_n3A_20, %lt3A_25 : i32
    %ne3A_27 = arith.xori %lt3A_24, %lt3A_26 : i1
    %and3A_28 = arith.andi %ne3A_27, %ne3A_23 : i1
    %add3A_29 = arith.addi %rem3A_21, %select_n3A_20 : i32
    %select_n3A_30 = arith.select %and3A_28, %add3A_29, %rem3A_21 : i32
    %mul3A_31 = arith.constant 2496 : i32
    %mul3A_32 = arith.muli %select_n3A_30, %mul3A_31 : i32
    %mul3A_33 = arith.constant 4 : i32
    %mul3A_34 = arith.muli %select_n3A_30, %mul3A_33 : i32
    %mul3A_35 = arith.constant 524288 : i32
    %mul3A_36 = arith.muli %select_n3A, %mul3A_35 : i32
    %mul3A_37 = arith.constant 5000 : i32
    %mul3A_38 = arith.muli %select_n3A, %mul3A_37 : i32
    %add3A_39 = arith.addi %mul3A_38, %mul3A_32 : i32
    "tpu.region"() ({
      %run_scoped3A = tpu.sem_alloc : memref<!tpu.dma_semaphore, #tpu.memory_space<semaphore_mem>>
      %dma_start3A_251 = arith.constant 0 : i32
      %dma_start3A_252 = tpu.memref_slice %arg10[%dma_start3A_251] : memref<2512xi32, #tpu.memory_space<vmem>> -> memref<2504xi32, #tpu.memory_space<vmem>>
      %dma_start3A_253 = tpu.memref_slice %arg3[%add3A_39] : memref<80000xi32, #tpu.memory_space<hbm>> -> memref<2504xi32, #tpu.memory_space<hbm>>
      %dma_start3A_254 = arith.constant 0 : i32
      %dma_start3A_255 = tpu.memref_slice %arg10[%dma_start3A_254] : memref<2512xi32, #tpu.memory_space<vmem>> -> memref<2504xi32, #tpu.memory_space<vmem>>
      %dma_start3A_256 = tpu.memref_slice %arg3[%add3A_39] : memref<80000xi32, #tpu.memory_space<hbm>> -> memref<2504xi32, #tpu.memory_space<hbm>>
      tpu.enqueue_dma source(%dma_start3A_256 : memref<2504xi32, #tpu.memory_space<hbm>>) target(%dma_start3A_255 : memref<2504xi32, #tpu.memory_space<vmem>>) target_semaphore(%run_scoped3A : memref<!tpu.dma_semaphore, #tpu.memory_space<semaphore_mem>>)
      %dma_wait3A_257 = arith.constant 0 : i32
      %dma_wait3A_258 = tpu.memref_slice %arg10[%dma_wait3A_257] : memref<2512xi32, #tpu.memory_space<vmem>> -> memref<2504xi32, #tpu.memory_space<vmem>>
      %dma_wait3A_259 = tpu.memref_slice %arg3[%add3A_39] : memref<80000xi32, #tpu.memory_space<hbm>> -> memref<2504xi32, #tpu.memory_space<hbm>>
      %dma_wait3A_260 = arith.constant 0 : i32
      %dma_wait3A_261 = tpu.memref_slice %arg10[%dma_wait3A_260] : memref<2512xi32, #tpu.memory_space<vmem>> -> memref<2504xi32, #tpu.memory_space<vmem>>
      %dma_wait3A_262 = tpu.memref_slice %arg3[%add3A_39] : memref<80000xi32, #tpu.memory_space<hbm>> -> memref<2504xi32, #tpu.memory_space<hbm>>
      tpu.wait_dma2 semaphore(%run_scoped3A : memref<!tpu.dma_semaphore, #tpu.memory_space<semaphore_mem>>) src(%dma_wait3A_262 : memref<2504xi32, #tpu.memory_space<hbm>>) dst(%dma_wait3A_261 : memref<2504xi32, #tpu.memory_space<vmem>>)
      tpu.yield
    }) : () -> ()
    %mul3A_40 = arith.constant 5000 : i32
    %mul3A_41 = arith.muli %select_n3A, %mul3A_40 : i32
    %add3A_42 = arith.addi %mul3A_41, %mul3A_32 : i32
    "tpu.region"() ({
      %run_scoped3A = tpu.sem_alloc : memref<!tpu.dma_semaphore, #tpu.memory_space<semaphore_mem>>
      %dma_start3A_251 = arith.constant 0 : i32
      %dma_start3A_252 = tpu.memref_slice %arg11[%dma_start3A_251] : memref<2512xi32, #tpu.memory_space<vmem>> -> memref<2504xi32, #tpu.memory_space<vmem>>
      %dma_start3A_253 = tpu.memref_slice %arg4[%add3A_42] : memref<80000xi32, #tpu.memory_space<hbm>> -> memref<2504xi32, #tpu.memory_space<hbm>>
      %dma_start3A_254 = arith.constant 0 : i32
      %dma_start3A_255 = tpu.memref_slice %arg11[%dma_start3A_254] : memref<2512xi32, #tpu.memory_space<vmem>> -> memref<2504xi32, #tpu.memory_space<vmem>>
      %dma_start3A_256 = tpu.memref_slice %arg4[%add3A_42] : memref<80000xi32, #tpu.memory_space<hbm>> -> memref<2504xi32, #tpu.memory_space<hbm>>
      tpu.enqueue_dma source(%dma_start3A_256 : memref<2504xi32, #tpu.memory_space<hbm>>) target(%dma_start3A_255 : memref<2504xi32, #tpu.memory_space<vmem>>) target_semaphore(%run_scoped3A : memref<!tpu.dma_semaphore, #tpu.memory_space<semaphore_mem>>)
      %dma_wait3A_257 = arith.constant 0 : i32
      %dma_wait3A_258 = tpu.memref_slice %arg11[%dma_wait3A_257] : memref<2512xi32, #tpu.memory_space<vmem>> -> memref<2504xi32, #tpu.memory_space<vmem>>
      %dma_wait3A_259 = tpu.memref_slice %arg4[%add3A_42] : memref<80000xi32, #tpu.memory_space<hbm>> -> memref<2504xi32, #tpu.memory_space<hbm>>
      %dma_wait3A_260 = arith.constant 0 : i32
      %dma_wait3A_261 = tpu.memref_slice %arg11[%dma_wait3A_260] : memref<2512xi32, #tpu.memory_space<vmem>> -> memref<2504xi32, #tpu.memory_space<vmem>>
      %dma_wait3A_262 = tpu.memref_slice %arg4[%add3A_42] : memref<80000xi32, #tpu.memory_space<hbm>> -> memref<2504xi32, #tpu.memory_space<hbm>>
      tpu.wait_dma2 semaphore(%run_scoped3A : memref<!tpu.dma_semaphore, #tpu.memory_space<semaphore_mem>>) src(%dma_wait3A_262 : memref<2504xi32, #tpu.memory_space<hbm>>) dst(%dma_wait3A_261 : memref<2504xi32, #tpu.memory_space<vmem>>)
      tpu.yield
    }) : () -> ()
    %mul3A_43 = arith.constant 5000 : i32
    %mul3A_44 = arith.muli %select_n3A, %mul3A_43 : i32
    %add3A_45 = arith.addi %mul3A_44, %mul3A_32 : i32
    "tpu.region"() ({
      %run_scoped3A = tpu.sem_alloc : memref<!tpu.dma_semaphore, #tpu.memory_space<semaphore_mem>>
      %dma_start3A_251 = arith.constant 0 : i32
      %dma_start3A_252 = tpu.memref_slice %arg12[%dma_start3A_251] : memref<2512xi32, #tpu.memory_space<vmem>> -> memref<2504xi32, #tpu.memory_space<vmem>>
      %dma_start3A_253 = tpu.memref_slice %arg5[%add3A_45] : memref<80000xi32, #tpu.memory_space<hbm>> -> memref<2504xi32, #tpu.memory_space<hbm>>
      %dma_start3A_254 = arith.constant 0 : i32
      %dma_start3A_255 = tpu.memref_slice %arg12[%dma_start3A_254] : memref<2512xi32, #tpu.memory_space<vmem>> -> memref<2504xi32, #tpu.memory_space<vmem>>
      %dma_start3A_256 = tpu.memref_slice %arg5[%add3A_45] : memref<80000xi32, #tpu.memory_space<hbm>> -> memref<2504xi32, #tpu.memory_space<hbm>>
      tpu.enqueue_dma source(%dma_start3A_256 : memref<2504xi32, #tpu.memory_space<hbm>>) target(%dma_start3A_255 : memref<2504xi32, #tpu.memory_space<vmem>>) target_semaphore(%run_scoped3A : memref<!tpu.dma_semaphore, #tpu.memory_space<semaphore_mem>>)
      %dma_wait3A_257 = arith.constant 0 : i32
      %dma_wait3A_258 = tpu.memref_slice %arg12[%dma_wait3A_257] : memref<2512xi32, #tpu.memory_space<vmem>> -> memref<2504xi32, #tpu.memory_space<vmem>>
      %dma_wait3A_259 = tpu.memref_slice %arg5[%add3A_45] : memref<80000xi32, #tpu.memory_space<hbm>> -> memref<2504xi32, #tpu.memory_space<hbm>>
      %dma_wait3A_260 = arith.constant 0 : i32
      %dma_wait3A_261 = tpu.memref_slice %arg12[%dma_wait3A_260] : memref<2512xi32, #tpu.memory_space<vmem>> -> memref<2504xi32, #tpu.memory_space<vmem>>
      %dma_wait3A_262 = tpu.memref_slice %arg5[%add3A_45] : memref<80000xi32, #tpu.memory_space<hbm>> -> memref<2504xi32, #tpu.memory_space<hbm>>
      tpu.wait_dma2 semaphore(%run_scoped3A : memref<!tpu.dma_semaphore, #tpu.memory_space<semaphore_mem>>) src(%dma_wait3A_262 : memref<2504xi32, #tpu.memory_space<hbm>>) dst(%dma_wait3A_261 : memref<2504xi32, #tpu.memory_space<vmem>>)
      tpu.yield
    }) : () -> ()
    %mul3A_46 = arith.constant 5000 : i32
    %mul3A_47 = arith.muli %select_n3A, %mul3A_46 : i32
    %add3A_48 = arith.addi %mul3A_47, %mul3A_32 : i32
    "tpu.region"() ({
      %run_scoped3A = tpu.sem_alloc : memref<!tpu.dma_semaphore, #tpu.memory_space<semaphore_mem>>
      %dma_start3A_251 = arith.constant 0 : i32
      %dma_start3A_252 = tpu.memref_slice %arg13[%dma_start3A_251] : memref<2512xi32, #tpu.memory_space<vmem>> -> memref<2504xi32, #tpu.memory_space<vmem>>
      %dma_start3A_253 = tpu.memref_slice %arg6[%add3A_48] : memref<80000xi32, #tpu.memory_space<hbm>> -> memref<2504xi32, #tpu.memory_space<hbm>>
      %dma_start3A_254 = arith.constant 0 : i32
      %dma_start3A_255 = tpu.memref_slice %arg13[%dma_start3A_254] : memref<2512xi32, #tpu.memory_space<vmem>> -> memref<2504xi32, #tpu.memory_space<vmem>>
      %dma_start3A_256 = tpu.memref_slice %arg6[%add3A_48] : memref<80000xi32, #tpu.memory_space<hbm>> -> memref<2504xi32, #tpu.memory_space<hbm>>
      tpu.enqueue_dma source(%dma_start3A_256 : memref<2504xi32, #tpu.memory_space<hbm>>) target(%dma_start3A_255 : memref<2504xi32, #tpu.memory_space<vmem>>) target_semaphore(%run_scoped3A : memref<!tpu.dma_semaphore, #tpu.memory_space<semaphore_mem>>)
      %dma_wait3A_257 = arith.constant 0 : i32
      %dma_wait3A_258 = tpu.memref_slice %arg13[%dma_wait3A_257] : memref<2512xi32, #tpu.memory_space<vmem>> -> memref<2504xi32, #tpu.memory_space<vmem>>
      %dma_wait3A_259 = tpu.memref_slice %arg6[%add3A_48] : memref<80000xi32, #tpu.memory_space<hbm>> -> memref<2504xi32, #tpu.memory_space<hbm>>
      %dma_wait3A_260 = arith.constant 0 : i32
      %dma_wait3A_261 = tpu.memref_slice %arg13[%dma_wait3A_260] : memref<2512xi32, #tpu.memory_space<vmem>> -> memref<2504xi32, #tpu.memory_space<vmem>>
      %dma_wait3A_262 = tpu.memref_slice %arg6[%add3A_48] : memref<80000xi32, #tpu.memory_space<hbm>> -> memref<2504xi32, #tpu.memory_space<hbm>>
      tpu.wait_dma2 semaphore(%run_scoped3A : memref<!tpu.dma_semaphore, #tpu.memory_space<semaphore_mem>>) src(%dma_wait3A_262 : memref<2504xi32, #tpu.memory_space<hbm>>) dst(%dma_wait3A_261 : memref<2504xi32, #tpu.memory_space<vmem>>)
      tpu.yield
    }) : () -> ()
    %mul3A_49 = arith.constant 5000 : i32
    %mul3A_50 = arith.muli %select_n3A, %mul3A_49 : i32
    %add3A_51 = arith.addi %mul3A_50, %mul3A_32 : i32
    "tpu.region"() ({
      %run_scoped3A = tpu.sem_alloc : memref<!tpu.dma_semaphore, #tpu.memory_space<semaphore_mem>>
      %dma_start3A_251 = arith.constant 0 : i32
      %dma_start3A_252 = tpu.memref_slice %arg14[%dma_start3A_251] : memref<2512xi32, #tpu.memory_space<vmem>> -> memref<2504xi32, #tpu.memory_space<vmem>>
      %dma_start3A_253 = tpu.memref_slice %arg7[%add3A_51] : memref<80000xi32, #tpu.memory_space<hbm>> -> memref<2504xi32, #tpu.memory_space<hbm>>
      %dma_start3A_254 = arith.constant 0 : i32
      %dma_start3A_255 = tpu.memref_slice %arg14[%dma_start3A_254] : memref<2512xi32, #tpu.memory_space<vmem>> -> memref<2504xi32, #tpu.memory_space<vmem>>
      %dma_start3A_256 = tpu.memref_slice %arg7[%add3A_51] : memref<80000xi32, #tpu.memory_space<hbm>> -> memref<2504xi32, #tpu.memory_space<hbm>>
      tpu.enqueue_dma source(%dma_start3A_256 : memref<2504xi32, #tpu.memory_space<hbm>>) target(%dma_start3A_255 : memref<2504xi32, #tpu.memory_space<vmem>>) target_semaphore(%run_scoped3A : memref<!tpu.dma_semaphore, #tpu.memory_space<semaphore_mem>>)
      %dma_wait3A_257 = arith.constant 0 : i32
      %dma_wait3A_258 = tpu.memref_slice %arg14[%dma_wait3A_257] : memref<2512xi32, #tpu.memory_space<vmem>> -> memref<2504xi32, #tpu.memory_space<vmem>>
      %dma_wait3A_259 = tpu.memref_slice %arg7[%add3A_51] : memref<80000xi32, #tpu.memory_space<hbm>> -> memref<2504xi32, #tpu.memory_space<hbm>>
      %dma_wait3A_260 = arith.constant 0 : i32
      %dma_wait3A_261 = tpu.memref_slice %arg14[%dma_wait3A_260] : memref<2512xi32, #tpu.memory_space<vmem>> -> memref<2504xi32, #tpu.memory_space<vmem>>
      %dma_wait3A_262 = tpu.memref_slice %arg7[%add3A_51] : memref<80000xi32, #tpu.memory_space<hbm>> -> memref<2504xi32, #tpu.memory_space<hbm>>
      tpu.wait_dma2 semaphore(%run_scoped3A : memref<!tpu.dma_semaphore, #tpu.memory_space<semaphore_mem>>) src(%dma_wait3A_262 : memref<2504xi32, #tpu.memory_space<hbm>>) dst(%dma_wait3A_261 : memref<2504xi32, #tpu.memory_space<vmem>>)
      tpu.yield
    }) : () -> ()
    %mul3A_52 = arith.constant 5000 : i32
    %mul3A_53 = arith.muli %select_n3A, %mul3A_52 : i32
    %add3A_54 = arith.addi %mul3A_53, %mul3A_32 : i32
    "tpu.region"() ({
      %run_scoped3A = tpu.sem_alloc : memref<!tpu.dma_semaphore, #tpu.memory_space<semaphore_mem>>
      %dma_start3A_251 = arith.constant 0 : i32
      %dma_start3A_252 = tpu.memref_slice %arg15[%dma_start3A_251] : memref<2512xi32, #tpu.memory_space<vmem>> -> memref<2504xi32, #tpu.memory_space<vmem>>
      %dma_start3A_253 = tpu.memref_slice %arg8[%add3A_54] : memref<80000xi32, #tpu.memory_space<hbm>> -> memref<2504xi32, #tpu.memory_space<hbm>>
      %dma_start3A_254 = arith.constant 0 : i32
      %dma_start3A_255 = tpu.memref_slice %arg15[%dma_start3A_254] : memref<2512xi32, #tpu.memory_space<vmem>> -> memref<2504xi32, #tpu.memory_space<vmem>>
      %dma_start3A_256 = tpu.memref_slice %arg8[%add3A_54] : memref<80000xi32, #tpu.memory_space<hbm>> -> memref<2504xi32, #tpu.memory_space<hbm>>
      tpu.enqueue_dma source(%dma_start3A_256 : memref<2504xi32, #tpu.memory_space<hbm>>) target(%dma_start3A_255 : memref<2504xi32, #tpu.memory_space<vmem>>) target_semaphore(%run_scoped3A : memref<!tpu.dma_semaphore, #tpu.memory_space<semaphore_mem>>)
      %dma_wait3A_257 = arith.constant 0 : i32
      %dma_wait3A_258 = tpu.memref_slice %arg15[%dma_wait3A_257] : memref<2512xi32, #tpu.memory_space<vmem>> -> memref<2504xi32, #tpu.memory_space<vmem>>
      %dma_wait3A_259 = tpu.memref_slice %arg8[%add3A_54] : memref<80000xi32, #tpu.memory_space<hbm>> -> memref<2504xi32, #tpu.memory_space<hbm>>
      %dma_wait3A_260 = arith.constant 0 : i32
      %dma_wait3A_261 = tpu.memref_slice %arg15[%dma_wait3A_260] : memref<2512xi32, #tpu.memory_space<vmem>> -> memref<2504xi32, #tpu.memory_space<vmem>>
      %dma_wait3A_262 = tpu.memref_slice %arg8[%add3A_54] : memref<80000xi32, #tpu.memory_space<hbm>> -> memref<2504xi32, #tpu.memory_space<hbm>>
      tpu.wait_dma2 semaphore(%run_scoped3A : memref<!tpu.dma_semaphore, #tpu.memory_space<semaphore_mem>>) src(%dma_wait3A_262 : memref<2504xi32, #tpu.memory_space<hbm>>) dst(%dma_wait3A_261 : memref<2504xi32, #tpu.memory_space<vmem>>)
      tpu.yield
    }) : () -> ()
    %iota3A = tpu.iota {dimensions = array<i32: 0>} : vector<16xi32>
    %get3A = arith.constant 0 : index
    %get3A_55 = tpu.vector_load %arg10[%get3A] {strides = array<i32>} : memref<2512xi32, #tpu.memory_space<vmem>>, vector<16xi32>,
    %get3A_56 = arith.constant 0 : index
    %get3A_57 = tpu.vector_load %arg11[%get3A_56] {strides = array<i32>} : memref<2512xi32, #tpu.memory_space<vmem>>, vector<16xi32>,
    %shift_right_arithmetic3A = arith.constant 3 : i32
    %shift_right_arithmetic3A_58 = vector.broadcast %shift_right_arithmetic3A : i32 to vector<16xi32>
    %shift_right_arithmetic3A_59 = arith.shrsi %get3A_57, %shift_right_arithmetic3A_58 : vector<16xi32>
    %mul3A_60 = arith.constant 4 : i32
    %mul3A_61 = vector.broadcast %mul3A_60 : i32 to vector<16xi32>
    %mul3A_62 = arith.muli %shift_right_arithmetic3A_59, %mul3A_61 : vector<16xi32>
    %shift_right_arithmetic3A_63 = arith.constant 7 : i32
    %shift_right_arithmetic3A_64 = vector.broadcast %shift_right_arithmetic3A_63 : i32 to vector<16xi32>
    %shift_right_arithmetic3A_65 = arith.shrsi %get3A_55, %shift_right_arithmetic3A_64 : vector<16xi32>
    %add3A_66 = arith.addi %mul3A_62, %shift_right_arithmetic3A_65 : vector<16xi32>
    %shift_left3A = arith.constant 10 : i32
    %shift_left3A_67 = vector.broadcast %shift_left3A : i32 to vector<16xi32>
    %shift_left3A_68 = arith.shli %add3A_66, %shift_left3A_67 : vector<16xi32>
    %and3A_69 = arith.constant 7 : i32
    %and3A_70 = vector.broadcast %and3A_69 : i32 to vector<16xi32>
    %and3A_71 = arith.andi %get3A_57, %and3A_70 : vector<16xi32>
    %shift_left3A_72 = arith.constant 7 : i32
    %shift_left3A_73 = vector.broadcast %shift_left3A_72 : i32 to vector<16xi32>
    %shift_left3A_74 = arith.shli %and3A_71, %shift_left3A_73 : vector<16xi32>
    %add3A_75 = arith.addi %shift_left3A_68, %shift_left3A_74 : vector<16xi32>
    %and3A_76 = arith.constant 127 : i32
    %and3A_77 = vector.broadcast %and3A_76 : i32 to vector<16xi32>
    %and3A_78 = arith.andi %get3A_55, %and3A_77 : vector<16xi32>
    %add3A_79 = arith.addi %add3A_75, %and3A_78 : vector<16xi32>
    %add3A_80 = vector.broadcast %mul3A_36 : i32 to vector<16xi32>
    %add3A_81 = arith.addi %add3A_80, %add3A_79 : vector<16xi32>
    %swap3A = arith.constant 0 : index
    %swap3A_82 = tpu.vector_load %arg16[%swap3A] {strides = array<i32>} : memref<5024xi32, #tpu.memory_space<vmem>>, vector<16xi32>,
    tpu.vector_store %arg16[%swap3A], %add3A_81 {strides = array<i32>} : memref<5024xi32, #tpu.memory_space<vmem>>, vector<16xi32>,
    %add3A_83 = arith.constant 262144 : i32
    %add3A_84 = vector.broadcast %add3A_83 : i32 to vector<16xi32>
    %add3A_85 = arith.addi %add3A_81, %add3A_84 : vector<16xi32>
    %swap3A_86 = arith.constant 2512 : index
    %swap3A_87 = tpu.vector_load %arg16[%swap3A_86] {strides = array<i32>} : memref<5024xi32, #tpu.memory_space<vmem>>, vector<16xi32>,
    tpu.vector_store %arg16[%swap3A_86], %add3A_85 {strides = array<i32>} : memref<5024xi32, #tpu.memory_space<vmem>>, vector<16xi32>,
    %scan3A = arith.constant 0 : i32
    %scan3A_88 = arith.constant 1 : i32
    %scan3A_89 = arith.constant 155 : i32
    %scan3A_90 = arith.addi %scan3A_88, %scan3A_89 : i32
    %scan3A_91 = arith.constant 1 : i32
    %scan3A_92 = scf.for %scan3A_251 = %scan3A_88 to %scan3A_90 step %scan3A_91 iter_args(%scan3A_252 = %scan3A) -> (i32)  : i32 {
      %mul3A_253 = arith.constant 16 : i32
      %mul3A_254 = arith.muli %scan3A_251, %mul3A_253 : i32
      %get3A_255 = arith.index_cast %mul3A_254 : i32 to index
      %get3A_256 = tpu.vector_load %arg10[%get3A_255] {strides = array<i32>} : memref<2512xi32, #tpu.memory_space<vmem>>, vector<16xi32>,
      %get3A_257 = arith.index_cast %mul3A_254 : i32 to index
      %get3A_258 = tpu.vector_load %arg11[%get3A_257] {strides = array<i32>} : memref<2512xi32, #tpu.memory_space<vmem>>, vector<16xi32>,
      %shift_right_arithmetic3A_259 = arith.constant 3 : i32
      %shift_right_arithmetic3A_260 = vector.broadcast %shift_right_arithmetic3A_259 : i32 to vector<16xi32>
      %shift_right_arithmetic3A_261 = arith.shrsi %get3A_258, %shift_right_arithmetic3A_260 : vector<16xi32>
      %mul3A_262 = arith.constant 4 : i32
      %mul3A_263 = vector.broadcast %mul3A_262 : i32 to vector<16xi32>
      %mul3A_264 = arith.muli %shift_right_arithmetic3A_261, %mul3A_263 : vector<16xi32>
      %shift_right_arithmetic3A_265 = arith.constant 7 : i32
      %shift_right_arithmetic3A_266 = vector.broadcast %shift_right_arithmetic3A_265 : i32 to vector<16xi32>
      %shift_right_arithmetic3A_267 = arith.shrsi %get3A_256, %shift_right_arithmetic3A_266 : vector<16xi32>
      %add3A_268 = arith.addi %mul3A_264, %shift_right_arithmetic3A_267 : vector<16xi32>
      %shift_left3A_269 = arith.constant 10 : i32
      %shift_left3A_270 = vector.broadcast %shift_left3A_269 : i32 to vector<16xi32>
      %shift_left3A_271 = arith.shli %add3A_268, %shift_left3A_270 : vector<16xi32>
      %and3A_272 = arith.constant 7 : i32
      %and3A_273 = vector.broadcast %and3A_272 : i32 to vector<16xi32>
      %and3A_274 = arith.andi %get3A_258, %and3A_273 : vector<16xi32>
      %shift_left3A_275 = arith.constant 7 : i32
      %shift_left3A_276 = vector.broadcast %shift_left3A_275 : i32 to vector<16xi32>
      %shift_left3A_277 = arith.shli %and3A_274, %shift_left3A_276 : vector<16xi32>
      %add3A_278 = arith.addi %shift_left3A_271, %shift_left3A_277 : vector<16xi32>
      %and3A_279 = arith.constant 127 : i32
      %and3A_280 = vector.broadcast %and3A_279 : i32 to vector<16xi32>
      %and3A_281 = arith.andi %get3A_256, %and3A_280 : vector<16xi32>
      %add3A_282 = arith.addi %add3A_278, %and3A_281 : vector<16xi32>
      %add3A_283 = vector.broadcast %mul3A_36 : i32 to vector<16xi32>
      %add3A_284 = arith.addi %add3A_283, %add3A_282 : vector<16xi32>
      %swap3A_285 = arith.index_cast %mul3A_254 : i32 to index
      %swap3A_286 = tpu.vector_load %arg16[%swap3A_285] {strides = array<i32>} : memref<5024xi32, #tpu.memory_space<vmem>>, vector<16xi32>,
      tpu.vector_store %arg16[%swap3A_285], %add3A_284 {strides = array<i32>} : memref<5024xi32, #tpu.memory_space<vmem>>, vector<16xi32>,
      %add3A_287 = arith.constant 262144 : i32
      %add3A_288 = vector.broadcast %add3A_287 : i32 to vector<16xi32>
      %add3A_289 = arith.addi %add3A_284, %add3A_288 : vector<16xi32>
      %add3A_290 = arith.constant 2512 : i32
      %add3A_291 = arith.addi %add3A_290, %mul3A_254 : i32
      %swap3A_292 = arith.index_cast %add3A_291 : i32 to index
      %swap3A_293 = tpu.vector_load %arg16[%swap3A_292] {strides = array<i32>} : memref<5024xi32, #tpu.memory_space<vmem>>, vector<16xi32>,
      tpu.vector_store %arg16[%swap3A_292], %add3A_289 {strides = array<i32>} : memref<5024xi32, #tpu.memory_space<vmem>>, vector<16xi32>,
      %scan3A_294 = arith.constant 0 : i32
      scf.yield %scan3A_294 : i32
    }
    %scan3A_93 = arith.constant 155 : i32
    %get3A_94 = arith.constant 2496 : index
    %get3A_95 = tpu.vector_load %arg10[%get3A_94] {strides = array<i32>} : memref<2512xi32, #tpu.memory_space<vmem>>, vector<16xi32>,
    %get3A_96 = arith.constant 2496 : index
    %get3A_97 = tpu.vector_load %arg11[%get3A_96] {strides = array<i32>} : memref<2512xi32, #tpu.memory_space<vmem>>, vector<16xi32>,
    %shift_right_arithmetic3A_98 = arith.constant 3 : i32
    %shift_right_arithmetic3A_99 = vector.broadcast %shift_right_arithmetic3A_98 : i32 to vector<16xi32>
    %shift_right_arithmetic3A_100 = arith.shrsi %get3A_97, %shift_right_arithmetic3A_99 : vector<16xi32>
    %mul3A_101 = arith.constant 4 : i32
    %mul3A_102 = vector.broadcast %mul3A_101 : i32 to vector<16xi32>
    %mul3A_103 = arith.muli %shift_right_arithmetic3A_100, %mul3A_102 : vector<16xi32>
    %shift_right_arithmetic3A_104 = arith.constant 7 : i32
    %shift_right_arithmetic3A_105 = vector.broadcast %shift_right_arithmetic3A_104 : i32 to vector<16xi32>
    %shift_right_arithmetic3A_106 = arith.shrsi %get3A_95, %shift_right_arithmetic3A_105 : vector<16xi32>
    %add3A_107 = arith.addi %mul3A_103, %shift_right_arithmetic3A_106 : vector<16xi32>
    %shift_left3A_108 = arith.constant 10 : i32
    %shift_left3A_109 = vector.broadcast %shift_left3A_108 : i32 to vector<16xi32>
    %shift_left3A_110 = arith.shli %add3A_107, %shift_left3A_109 : vector<16xi32>
    %and3A_111 = arith.constant 7 : i32
    %and3A_112 = vector.broadcast %and3A_111 : i32 to vector<16xi32>
    %and3A_113 = arith.andi %get3A_97, %and3A_112 : vector<16xi32>
    %shift_left3A_114 = arith.constant 7 : i32
    %shift_left3A_115 = vector.broadcast %shift_left3A_114 : i32 to vector<16xi32>
    %shift_left3A_116 = arith.shli %and3A_113, %shift_left3A_115 : vector<16xi32>
    %add3A_117 = arith.addi %shift_left3A_110, %shift_left3A_116 : vector<16xi32>
    %and3A_118 = arith.constant 127 : i32
    %and3A_119 = vector.broadcast %and3A_118 : i32 to vector<16xi32>
    %and3A_120 = arith.andi %get3A_95, %and3A_119 : vector<16xi32>
    %add3A_121 = arith.addi %add3A_117, %and3A_120 : vector<16xi32>
    %add3A_122 = vector.broadcast %mul3A_36 : i32 to vector<16xi32>
    %add3A_123 = arith.addi %add3A_122, %add3A_121 : vector<16xi32>
    %add3A_124 = arith.constant 2496 : i32
    %add3A_125 = vector.broadcast %add3A_124 : i32 to vector<16xi32>
    %add3A_126 = arith.addi %add3A_125, %iota3A : vector<16xi32>
    %lt3A_127 = arith.constant 2504 : i32
    %lt3A_128 = vector.broadcast %lt3A_127 : i32 to vector<16xi32>
    %lt3A_129 = arith.cmpi slt, %add3A_126, %lt3A_128 : vector<16xi32>
    %jit3A_130 = arith.constant 0 : i32
    %broadcast_in_dim3A = vector.broadcast %jit3A_130 : i32 to vector<16xi32>
    %select_n3A_131 = arith.select %lt3A_129, %add3A_123, %broadcast_in_dim3A : vector<16xi1>, vector<16xi32>
    %swap3A_132 = arith.constant 2496 : index
    %swap3A_133 = tpu.vector_load %arg16[%swap3A_132] {strides = array<i32>} : memref<5024xi32, #tpu.memory_space<vmem>>, vector<16xi32>,
    tpu.vector_store %arg16[%swap3A_132], %select_n3A_131 {strides = array<i32>} : memref<5024xi32, #tpu.memory_space<vmem>>, vector<16xi32>,
    %add3A_134 = arith.constant 262144 : i32
    %add3A_135 = vector.broadcast %add3A_134 : i32 to vector<16xi32>
    %add3A_136 = arith.addi %select_n3A_131, %add3A_135 : vector<16xi32>
    %swap3A_137 = arith.constant 5008 : index
    %swap3A_138 = tpu.vector_load %arg16[%swap3A_137] {strides = array<i32>} : memref<5024xi32, #tpu.memory_space<vmem>>, vector<16xi32>,
    tpu.vector_store %arg16[%swap3A_137], %add3A_136 {strides = array<i32>} : memref<5024xi32, #tpu.memory_space<vmem>>, vector<16xi32>,
    %dma_start3A = arith.constant 0 : i32
    %dma_start3A_139 = tpu.memref_slice %arg2[%dma_start3A] : memref<8388608xf32, #tpu.memory_space<hbm>> -> memref<8388608xf32, #tpu.memory_space<hbm>>
    tpu.enqueue_indirect_dma source(%dma_start3A_139 : memref<8388608xf32, #tpu.memory_space<hbm>>) target(%arg17 : memref<5024xf32, #tpu.memory_space<vmem>>) offsets(%arg16 : memref<5024xi32, #tpu.memory_space<vmem>>) semaphore(%arg19 : memref<!tpu.dma_semaphore, #tpu.memory_space<semaphore_mem>>)
    %dma_wait3A = arith.constant 0 : i32
    %dma_wait3A_140 = tpu.memref_slice %arg2[%dma_wait3A] : memref<8388608xf32, #tpu.memory_space<hbm>> -> memref<8388608xf32, #tpu.memory_space<hbm>>
    tpu.wait_indirect_dma semaphore(%arg19 : memref<!tpu.dma_semaphore, #tpu.memory_space<semaphore_mem>>) src(%dma_wait3A_140 : memref<8388608xf32, #tpu.memory_space<hbm>>) dst(%arg17 : memref<5024xf32, #tpu.memory_space<vmem>>)
    %get3A_141 = arith.constant 0 : index
    %get3A_142 = tpu.vector_load %arg14[%get3A_141] {strides = array<i32>} : memref<2512xi32, #tpu.memory_space<vmem>>, vector<16xi32>,
    %bitcast3A = vector.bitcast %get3A_142 : vector<16xi32> to vector<16xf32>
    %get3A_143 = arith.constant 0 : index
    %get3A_144 = tpu.vector_load %arg15[%get3A_143] {strides = array<i32>} : memref<2512xi32, #tpu.memory_space<vmem>>, vector<16xi32>,
    %bitcast3A_145 = vector.bitcast %get3A_144 : vector<16xi32> to vector<16xf32>
    %get3A_146 = arith.constant 0 : index
    %get3A_147 = tpu.vector_load %arg12[%get3A_146] {strides = array<i32>} : memref<2512xi32, #tpu.memory_space<vmem>>, vector<16xi32>,
    %get3A_148 = arith.constant 0 : index
    %get3A_149 = tpu.vector_load %arg13[%get3A_148] {strides = array<i32>} : memref<2512xi32, #tpu.memory_space<vmem>>, vector<16xi32>,
    %convert_element_type3A = arith.sitofp %get3A_147 : vector<16xi32> to vector<16xf32>
    %mul3A_150 = arith.constant 3.906250e-03 : f32
    %mul3A_151 = vector.broadcast %mul3A_150 : f32 to vector<16xf32>
    %mul3A_152 = arith.mulf %convert_element_type3A, %mul3A_151 : vector<16xf32>
    %sub3A_153 = arith.constant 1.000000e+00 : f32
    %sub3A_154 = vector.broadcast %sub3A_153 : f32 to vector<16xf32>
    %sub3A_155 = arith.subf %mul3A_152, %sub3A_154 : vector<16xf32>
    %convert_element_type3A_156 = arith.sitofp %get3A_149 : vector<16xi32> to vector<16xf32>
    %mul3A_157 = arith.constant 3.906250e-03 : f32
    %mul3A_158 = vector.broadcast %mul3A_157 : f32 to vector<16xf32>
    %mul3A_159 = arith.mulf %convert_element_type3A_156, %mul3A_158 : vector<16xf32>
    %sub3A_160 = arith.constant 1.000000e+00 : f32
    %sub3A_161 = vector.broadcast %sub3A_160 : f32 to vector<16xf32>
    %sub3A_162 = arith.subf %mul3A_159, %sub3A_161 : vector<16xf32>
    %get3A_163 = arith.constant 0 : index
    %get3A_164 = tpu.vector_load %arg17[%get3A_163] {strides = array<i32>} : memref<5024xf32, #tpu.memory_space<vmem>>, vector<16xf32>,
    %get3A_165 = arith.constant 2512 : index
    %get3A_166 = tpu.vector_load %arg17[%get3A_165] {strides = array<i32>} : memref<5024xf32, #tpu.memory_space<vmem>>, vector<16xf32>,
    %mul3A_167 = arith.mulf %get3A_164, %bitcast3A : vector<16xf32>
    %mul3A_168 = arith.mulf %sub3A_155, %bitcast3A : vector<16xf32>
    %sub3A_169 = arith.subf %mul3A_167, %mul3A_168 : vector<16xf32>
    %mul3A_170 = arith.mulf %get3A_166, %bitcast3A_145 : vector<16xf32>
    %mul3A_171 = arith.mulf %sub3A_162, %bitcast3A_145 : vector<16xf32>
    %sub3A_172 = arith.subf %mul3A_170, %mul3A_171 : vector<16xf32>
    %mul3A_173 = arith.mulf %sub3A_169, %sub3A_169 : vector<16xf32>
    %mul3A_174 = arith.mulf %sub3A_172, %sub3A_172 : vector<16xf32>
    %add3A_175 = arith.addf %mul3A_173, %mul3A_174 : vector<16xf32>
    %add3A_176 = arith.constant 0 : i32
    %add3A_177 = vector.broadcast %add3A_176 : i32 to vector<16xi32>
    %add3A_178 = arith.addi %add3A_177, %iota3A : vector<16xi32>
    %ge3A = vector.broadcast %mul3A_34 : i32 to vector<16xi32>
    %ge3A_179 = arith.cmpi sge, %add3A_178, %ge3A : vector<16xi32>
    %add3A_180 = arith.constant 2500 : i32
    %add3A_181 = arith.addi %mul3A_34, %add3A_180 : i32
    %lt3A_182 = vector.broadcast %add3A_181 : i32 to vector<16xi32>
    %lt3A_183 = arith.cmpi slt, %add3A_178, %lt3A_182 : vector<16xi32>
    %and3A_184 = arith.andi %ge3A_179, %lt3A_183 : vector<16xi1>
    %jit3A_185 = arith.constant 0.000000e+00 : f32
    %broadcast_in_dim3A_186 = vector.broadcast %jit3A_185 : f32 to vector<16xf32>
    %select_n3A_187 = arith.select %and3A_184, %add3A_175, %broadcast_in_dim3A_186 : vector<16xi1>, vector<16xf32>
    %scan3A_188 = arith.constant 3.906250e-03 : f32
    %scan3A_189 = arith.constant 1 : i32
    %scan3A_190 = arith.constant 155 : i32
    %scan3A_191 = arith.addi %scan3A_189, %scan3A_190 : i32
    %scan3A_192 = arith.constant 1 : i32
    %scan3A_193 = scf.for %scan3A_251 = %scan3A_189 to %scan3A_191 step %scan3A_192 iter_args(%scan3A_252 = %select_n3A_187) -> (vector<16xf32>)  : i32 {
      %mul3A_253 = arith.constant 16 : i32
      %mul3A_254 = arith.muli %scan3A_251, %mul3A_253 : i32
      %get3A_255 = arith.index_cast %mul3A_254 : i32 to index
      %get3A_256 = tpu.vector_load %arg14[%get3A_255] {strides = array<i32>} : memref<2512xi32, #tpu.memory_space<vmem>>, vector<16xi32>,
      %bitcast3A_257 = vector.bitcast %get3A_256 : vector<16xi32> to vector<16xf32>
      %get3A_258 = arith.index_cast %mul3A_254 : i32 to index
      %get3A_259 = tpu.vector_load %arg15[%get3A_258] {strides = array<i32>} : memref<2512xi32, #tpu.memory_space<vmem>>, vector<16xi32>,
      %bitcast3A_260 = vector.bitcast %get3A_259 : vector<16xi32> to vector<16xf32>
      %get3A_261 = arith.index_cast %mul3A_254 : i32 to index
      %get3A_262 = tpu.vector_load %arg12[%get3A_261] {strides = array<i32>} : memref<2512xi32, #tpu.memory_space<vmem>>, vector<16xi32>,
      %get3A_263 = arith.index_cast %mul3A_254 : i32 to index
      %get3A_264 = tpu.vector_load %arg13[%get3A_263] {strides = array<i32>} : memref<2512xi32, #tpu.memory_space<vmem>>, vector<16xi32>,
      %convert_element_type3A_265 = arith.sitofp %get3A_262 : vector<16xi32> to vector<16xf32>
      %mul3A_266 = vector.broadcast %scan3A_188 : f32 to vector<16xf32>
      %mul3A_267 = arith.mulf %convert_element_type3A_265, %mul3A_266 : vector<16xf32>
      %sub3A_268 = arith.constant 1.000000e+00 : f32
      %sub3A_269 = vector.broadcast %sub3A_268 : f32 to vector<16xf32>
      %sub3A_270 = arith.subf %mul3A_267, %sub3A_269 : vector<16xf32>
      %convert_element_type3A_271 = arith.sitofp %get3A_264 : vector<16xi32> to vector<16xf32>
      %mul3A_272 = vector.broadcast %scan3A_188 : f32 to vector<16xf32>
      %mul3A_273 = arith.mulf %convert_element_type3A_271, %mul3A_272 : vector<16xf32>
      %sub3A_274 = arith.constant 1.000000e+00 : f32
      %sub3A_275 = vector.broadcast %sub3A_274 : f32 to vector<16xf32>
      %sub3A_276 = arith.subf %mul3A_273, %sub3A_275 : vector<16xf32>
      %get3A_277 = arith.index_cast %mul3A_254 : i32 to index
      %get3A_278 = tpu.vector_load %arg17[%get3A_277] {strides = array<i32>} : memref<5024xf32, #tpu.memory_space<vmem>>, vector<16xf32>,
      %add3A_279 = arith.constant 2512 : i32
      %add3A_280 = arith.addi %add3A_279, %mul3A_254 : i32
      %get3A_281 = arith.index_cast %add3A_280 : i32 to index
      %get3A_282 = tpu.vector_load %arg17[%get3A_281] {strides = array<i32>} : memref<5024xf32, #tpu.memory_space<vmem>>, vector<16xf32>,
      %mul3A_283 = arith.mulf %get3A_278, %bitcast3A_257 : vector<16xf32>
      %mul3A_284 = arith.mulf %sub3A_270, %bitcast3A_257 : vector<16xf32>
      %sub3A_285 = arith.subf %mul3A_283, %mul3A_284 : vector<16xf32>
      %mul3A_286 = arith.mulf %get3A_282, %bitcast3A_260 : vector<16xf32>
      %mul3A_287 = arith.mulf %sub3A_276, %bitcast3A_260 : vector<16xf32>
      %sub3A_288 = arith.subf %mul3A_286, %mul3A_287 : vector<16xf32>
      %mul3A_289 = arith.mulf %sub3A_285, %sub3A_285 : vector<16xf32>
      %mul3A_290 = arith.mulf %sub3A_288, %sub3A_288 : vector<16xf32>
      %add3A_291 = arith.addf %mul3A_289, %mul3A_290 : vector<16xf32>
      %add3A_292 = arith.addf %scan3A_252, %add3A_291 : vector<16xf32>
      scf.yield %add3A_292 : vector<16xf32>
    }
    %scan3A_194 = arith.constant 155 : i32
    %get3A_195 = arith.constant 2496 : index
    %get3A_196 = tpu.vector_load %arg14[%get3A_195] {strides = array<i32>} : memref<2512xi32, #tpu.memory_space<vmem>>, vector<16xi32>,
    %bitcast3A_197 = vector.bitcast %get3A_196 : vector<16xi32> to vector<16xf32>
    %get3A_198 = arith.constant 2496 : index
    %get3A_199 = tpu.vector_load %arg15[%get3A_198] {strides = array<i32>} : memref<2512xi32, #tpu.memory_space<vmem>>, vector<16xi32>,
    %bitcast3A_200 = vector.bitcast %get3A_199 : vector<16xi32> to vector<16xf32>
    %get3A_201 = arith.constant 2496 : index
    %get3A_202 = tpu.vector_load %arg12[%get3A_201] {strides = array<i32>} : memref<2512xi32, #tpu.memory_space<vmem>>, vector<16xi32>,
    %get3A_203 = arith.constant 2496 : index
    %get3A_204 = tpu.vector_load %arg13[%get3A_203] {strides = array<i32>} : memref<2512xi32, #tpu.memory_space<vmem>>, vector<16xi32>,
    %convert_element_type3A_205 = arith.sitofp %get3A_202 : vector<16xi32> to vector<16xf32>
    %mul3A_206 = arith.constant 3.906250e-03 : f32
    %mul3A_207 = vector.broadcast %mul3A_206 : f32 to vector<16xf32>
    %mul3A_208 = arith.mulf %convert_element_type3A_205, %mul3A_207 : vector<16xf32>
    %sub3A_209 = arith.constant 1.000000e+00 : f32
    %sub3A_210 = vector.broadcast %sub3A_209 : f32 to vector<16xf32>
    %sub3A_211 = arith.subf %mul3A_208, %sub3A_210 : vector<16xf32>
    %convert_element_type3A_212 = arith.sitofp %get3A_204 : vector<16xi32> to vector<16xf32>
    %mul3A_213 = arith.constant 3.906250e-03 : f32
    %mul3A_214 = vector.broadcast %mul3A_213 : f32 to vector<16xf32>
    %mul3A_215 = arith.mulf %convert_element_type3A_212, %mul3A_214 : vector<16xf32>
    %sub3A_216 = arith.constant 1.000000e+00 : f32
    %sub3A_217 = vector.broadcast %sub3A_216 : f32 to vector<16xf32>
    %sub3A_218 = arith.subf %mul3A_215, %sub3A_217 : vector<16xf32>
    %get3A_219 = arith.constant 2496 : index
    %get3A_220 = tpu.vector_load %arg17[%get3A_219] {strides = array<i32>} : memref<5024xf32, #tpu.memory_space<vmem>>, vector<16xf32>,
    %get3A_221 = arith.constant 5008 : index
    %get3A_222 = tpu.vector_load %arg17[%get3A_221] {strides = array<i32>} : memref<5024xf32, #tpu.memory_space<vmem>>, vector<16xf32>,
    %mul3A_223 = arith.mulf %get3A_220, %bitcast3A_197 : vector<16xf32>
    %mul3A_224 = arith.mulf %sub3A_211, %bitcast3A_197 : vector<16xf32>
    %sub3A_225 = arith.subf %mul3A_223, %mul3A_224 : vector<16xf32>
    %mul3A_226 = arith.mulf %get3A_222, %bitcast3A_200 : vector<16xf32>
    %mul3A_227 = arith.mulf %sub3A_218, %bitcast3A_200 : vector<16xf32>
    %sub3A_228 = arith.subf %mul3A_226, %mul3A_227 : vector<16xf32>
    %mul3A_229 = arith.mulf %sub3A_225, %sub3A_225 : vector<16xf32>
    %mul3A_230 = arith.mulf %sub3A_228, %sub3A_228 : vector<16xf32>
    %add3A_231 = arith.addf %mul3A_229, %mul3A_230 : vector<16xf32>
    %add3A_232 = arith.constant 2496 : i32
    %add3A_233 = vector.broadcast %add3A_232 : i32 to vector<16xi32>
    %add3A_234 = arith.addi %add3A_233, %iota3A : vector<16xi32>
    %ge3A_235 = vector.broadcast %mul3A_34 : i32 to vector<16xi32>
    %ge3A_236 = arith.cmpi sge, %add3A_234, %ge3A_235 : vector<16xi32>
    %add3A_237 = arith.constant 2500 : i32
    %add3A_238 = arith.addi %mul3A_34, %add3A_237 : i32
    %lt3A_239 = vector.broadcast %add3A_238 : i32 to vector<16xi32>
    %lt3A_240 = arith.cmpi slt, %add3A_234, %lt3A_239 : vector<16xi32>
    %and3A_241 = arith.andi %ge3A_236, %lt3A_240 : vector<16xi1>
    %jit3A_242 = arith.constant 0.000000e+00 : f32
    %broadcast_in_dim3A_243 = vector.broadcast %jit3A_242 : f32 to vector<16xf32>
    %select_n3A_244 = arith.select %and3A_241, %add3A_231, %broadcast_in_dim3A_243 : vector<16xi1>, vector<16xf32>
    %add3A_245 = arith.addf %scan3A_193, %select_n3A_244 : vector<16xf32>
    %mul3A_246 = arith.constant 6.250000e-06 : f32
    %mul3A_247 = vector.broadcast %mul3A_246 : f32 to vector<16xf32>
    %mul3A_248 = arith.mulf %add3A_245, %mul3A_247 : vector<16xf32>
    %swap3A_249 = arith.constant 0 : index
    %swap3A_250 = tpu.vector_load %arg18[%swap3A_249] {strides = array<i32>} : memref<16xf32, #tpu.memory_space<vmem>>, vector<16xf32>,
    tpu.vector_store %arg18[%swap3A_249], %mul3A_248 {strides = array<i32>} : memref<16xf32, #tpu.memory_space<vmem>>, vector<16xf32>,
    "tpu.region"() ({
      %run_scoped3A = tpu.sem_alloc : memref<!tpu.dma_semaphore, #tpu.memory_space<semaphore_mem>>
      %dma_start3A_251 = arith.constant 0 : i32
      %dma_start3A_252 = tpu.memref_slice %arg9[%add3A, %dma_start3A_251] : memref<32x16xf32, #tpu.memory_space<hbm>> -> memref<1x16xf32, #tpu.memory_space<hbm>>
      %dma_start3A_253 = tpu.memref_squeeze %dma_start3A_252 : memref<1x16xf32, #tpu.memory_space<hbm>> -> memref<16xf32, #tpu.memory_space<hbm>>
      %dma_start3A_254 = arith.constant 0 : i32
      %dma_start3A_255 = tpu.memref_slice %arg9[%add3A, %dma_start3A_254] : memref<32x16xf32, #tpu.memory_space<hbm>> -> memref<1x16xf32, #tpu.memory_space<hbm>>
      %dma_start3A_256 = tpu.memref_squeeze %dma_start3A_255 : memref<1x16xf32, #tpu.memory_space<hbm>> -> memref<16xf32, #tpu.memory_space<hbm>>
      tpu.enqueue_dma source(%arg18 : memref<16xf32, #tpu.memory_space<vmem>>) target(%dma_start3A_256 : memref<16xf32, #tpu.memory_space<hbm>>) target_semaphore(%run_scoped3A : memref<!tpu.dma_semaphore, #tpu.memory_space<semaphore_mem>>)
      %dma_wait3A_257 = arith.constant 0 : i32
      %dma_wait3A_258 = tpu.memref_slice %arg9[%add3A, %dma_wait3A_257] : memref<32x16xf32, #tpu.memory_space<hbm>> -> memref<1x16xf32, #tpu.memory_space<hbm>>
      %dma_wait3A_259 = tpu.memref_squeeze %dma_wait3A_258 : memref<1x16xf32, #tpu.memory_space<hbm>> -> memref<16xf32, #tpu.memory_space<hbm>>
      %dma_wait3A_260 = arith.constant 0 : i32
      %dma_wait3A_261 = tpu.memref_slice %arg9[%add3A, %dma_wait3A_260] : memref<32x16xf32, #tpu.memory_space<hbm>> -> memref<1x16xf32, #tpu.memory_space<hbm>>
      %dma_wait3A_262 = tpu.memref_squeeze %dma_wait3A_261 : memref<1x16xf32, #tpu.memory_space<hbm>> -> memref<16xf32, #tpu.memory_space<hbm>>
      tpu.wait_dma2 semaphore(%run_scoped3A : memref<!tpu.dma_semaphore, #tpu.memory_space<semaphore_mem>>) src(%arg18 : memref<16xf32, #tpu.memory_space<vmem>>) dst(%dma_wait3A_262 : memref<16xf32, #tpu.memory_space<hbm>>)
      tpu.yield
    }) : () -> ()
    return
  }
}

</mosaic_0001>

<sc_bundles>
// kernel: _landmark_loss.3.cloned.1.call-start
scs
__scs_entry_jumppad:
0x0: {  	(pc) =	sbr.rel $0x88, $3  }
0x1: {  	(tag) =	ssettag $0x0;
	lr =	simm.s32 $0x1  }
0x2: {  	[smem:$0x3F9A] =	sst lr;
	_ =	strace $0xD0000000  }
0x3: {  	_ = 	snop  }
0x4: {  	_ = 	snop  }
0x5: {  	_ = 	snop  }
0x6: {  	_ = 	snop  }
0x7: {  	_ = 	snop  }
__scs_overlays_trampoline_lowered:
0x8: {  	[smem:$0x3FA9] =	sst s0  }
0x9: {  	[smem:$0x3FAA] =	sst s1  }
0xa: {  	[smem:$0x3FAB] =	sst s2  }
0xb: {  	[smem:$0x3FAC] =	sst s3  }
0xc: {  	[smem:$0x3FAD] =	sst s4  }
0xd: {  	[smem:$0x3FAE] =	sst s5  }
0xe: {  	[smem:$0x3FAF] =	sst s6  }
0xf: {  	[smem:$0x3FB0] =	sst s7  }
0x10: {  	[smem:$0x3FB1] =	sst s8  }
0x11: {  	[smem:$0x3FB2] =	sst s9;
	s0 =	simm.s32 @!p0 $0x0  }
0x12: {  	s1 =	sld [smem:$0x3F98];
	s0 =	simm.s32 @p0 $0x1  }
0x13: {  	[smem:$0x3FB3] =	sst s0;
	s0 =	simm.s32 @!p1 $0x0  }
0x14: {  	s2 =	sld [smem:$0x3F97];
	s0 =	simm.s32 @p1 $0x1  }
0x15: {  	[smem:$0x3FB4] =	sst s0;
	s0 =	simm.s32 @!p2 $0x0  }
0x16: {  	s3 =	sld [smem:$0x3FDB];
	s0 =	simm.s32 @p2 $0x1  }
0x17: {  	s4 =	simm.s32 $0x1BF5;
	[smem:$0x3FB6] =	sst s0  }
0x18: {  	s0 =	sld [smem:$0x3F99];
	_ =	swait.ge [sflag:s4], $0x0  }
0x19: {  	s7 =	sld [smem:$0x3F9A]  }
0x1a: {  	s8 =	sadd.s32 $0xFFFFE003, lr  }
0x1b: {  	s9 =	sadd.s32 $0xFFFFFEF7, lr;
	s5 =	simm.s32 $0xFFFFFFFF;
	p2 =	slt.u32 s8, $0xFFFFF086  }
0x1c: {  	p1 =	slt.u32 s9, $0xF7A;
	s5 =	simm.s32 @!p2 $0x0  }
0x1d: {  	s5 =	simm.s32 @p1 $0x1;
	p0 =	seq.s32 s7, s2  }
0x1e: {  	s7 =	smul.u32 @!p0 $0xF7A, s2;
	p2 =	seq.s32 @!p0 s5, $0x0  }
0x1f: {  	s9 =	smul.u32 $0xF7A, s1;
	s8 =	simm.s32 @!p0 $0x1BF5;
	p2 =	por !p2, p0  }
0x20: {  	[sflag:s8] =	ssyncset.s32 @!p0 $0xFFFFF086;
	s6 =	sadd.s32 @!p0 s3, s7;
	s7 =	simm.s32 @!p0 $0x108  }
0x21: {  	s3 =	sadd.s32 s3, s9;
	s6 =	sadd.s32 @!p0 $0x88, s6;
	s7 =	simm.s32 @p2 $0x1082  }
0x22: {  	[simem:s7], [sflag:s8] =	dma.local @!p0 [hbm:s6], $0xF7A  }
0x23: {  	s9 =	sor.u32 $0xD0000000, s2;
	s6 =	simm.s32 $0x108;
	_ =	swait.ge @!p0 [sflag:s8], $0x0  }
0x24: {  	s3 =	sadd.s32 $0x88, s3;
	s6 =	simm.s32 @!p1 $0x1082;
	[sflag:s4] =	ssyncset.s32 $0xFFFFF086  }
0x25: {  	[simem:s6], [sflag:s4] =	dma.local [hbm:s3], $0xF7A  }
0x26: {  	[smem:$0x3F9A] =	sst s1;
	(tag) =	ssettag s2;
	_ =	strace s9  }
0x27: {  	s1 =	sld [smem:$0x3FAA]  }
0x28: {  	s2 =	sld [smem:$0x3FAB]  }
0x29: {  	s4 =	sld [smem:$0x3FAD]  }
0x2a: {  	p0 =	seq.s32 s5, $0x0;
	s5 =	sld [smem:$0x3FAE]  }
0x2b: {  	s6 =	sld [smem:$0x3FAF]  }
0x2c: {  	s7 =	sld [smem:$0x3FB0]  }
0x2d: {  	s3 =	simm.s32 $0x108;
	s8 =	sld [smem:$0x3FB1]  }
0x2e: {  	s3 =	simm.s32 @!p0 $0x1082;
	s9 =	sld [smem:$0x3FB2]  }
0x2f: {  	lr =	sadd.s32 s0, s3;
	s0 =	sld [smem:$0x3FA9]  }
0x30: {  	s3 =	sld [smem:$0x3FAC]  }
0x31: {  	[smem:$0x3FB5] =	sst s10  }
0x32: {  	s10 =	sld [smem:$0x3FB3];
	_ =	sdelay $0x3  }
0x33: {  	p0 =	seq.s32 s10, $0x1;
	s10 =	sld [smem:$0x3FB5];
	_ =	sdelay $0x3  }
0x34: {  	[smem:$0x3FB5] =	sst s10  }
0x35: {  	s10 =	sld [smem:$0x3FB4];
	_ =	sdelay $0x3  }
0x36: {  	p1 =	seq.s32 s10, $0x1;
	s10 =	sld [smem:$0x3FB5];
	_ =	sdelay $0x3  }
0x37: {  	[smem:$0x3FB5] =	sst s10  }
0x38: {  	s10 =	sld [smem:$0x3FB6]  }
0x39: {  	_ = 	snop;
	(pc) =	sbr.ind lr, $3  }
0x3a: {  	_ = 	snop  }
0x3b: {  	_ = 	snop  }
0x3c: {  	p2 =	seq.s32 s10, $0x1;
	s10 =	sld [smem:$0x3FB5]  }
0x3d: {  	_ =	shalt  }
0x3e: {  	_ =	shalt  }
0x3f: {  	_ =	shalt  }
0x40: {  	_ =	shalt  }
0x41: {  	_ =	shalt  }
0x42: {  	_ =	shalt  }
0x43: {  	_ =	shalt  }
0x44: {  	_ =	shalt  }
0x45: {  	_ =	shalt  }
0x46: {  	_ =	shalt  }
0x47: {  	_ =	shalt  }
0x48: {  	_ =	shalt  }
0x49: {  	_ =	shalt  }
0x4a: {  	_ =	shalt  }
0x4b: {  	_ =	shalt  }
0x4c: {  	_ =	shalt  }
0x4d: {  	_ =	shalt  }
0x4e: {  	_ =	shalt  }
0x4f: {  	_ =	shalt  }
0x50: {  	_ =	shalt  }
0x51: {  	_ =	shalt  }
0x52: {  	_ =	shalt  }
0x53: {  	_ =	shalt  }
0x54: {  	_ =	shalt  }
0x55: {  	_ =	shalt  }
0x56: {  	_ =	shalt  }
0x57: {  	_ =	shalt  }
0x58: {  	_ =	shalt  }
0x59: {  	_ =	shalt  }
0x5a: {  	_ =	shalt  }
0x5b: {  	_ =	shalt  }
0x5c: {  	_ =	shalt  }
0x5d: {  	_ =	shalt  }
0x5e: {  	_ =	shalt  }
0x5f: {  	_ =	shalt  }
0x60: {  	_ =	shalt  }
0x61: {  	_ =	shalt  }
0x62: {  	_ =	shalt  }
0x63: {  	_ =	shalt  }
0x64: {  	_ =	shalt  }
0x65: {  	_ =	shalt  }
0x66: {  	_ =	shalt  }
0x67: {  	_ =	shalt  }
0x68: {  	_ =	shalt  }
0x69: {  	_ =	shalt  }
0x6a: {  	_ =	shalt  }
0x6b: {  	_ =	shalt  }
0x6c: {  	_ =	shalt  }
0x6d: {  	_ =	shalt  }
0x6e: {  	_ =	shalt  }
0x6f: {  	_ =	shalt  }
0x70: {  	_ =	shalt  }
0x71: {  	_ =	shalt  }
0x72: {  	_ =	shalt  }
0x73: {  	_ =	shalt  }
0x74: {  	_ =	shalt  }
0x75: {  	_ =	shalt  }
0x76: {  	_ =	shalt  }
0x77: {  	_ =	shalt  }
0x78: {  	_ =	shalt  }
0x79: {  	_ =	shalt  }
0x7a: {  	_ =	shalt  }
0x7b: {  	_ =	shalt  }
0x7c: {  	_ =	shalt  }
0x7d: {  	_ =	shalt  }
0x7e: {  	_ =	shalt  }
0x7f: {  	_ =	shalt  }
0x80: {  	_ =	shalt  }
0x81: {  	_ =	shalt  }
0x82: {  	_ =	shalt  }
0x83: {  	_ =	shalt  }
0x84: {  	_ =	shalt  }
0x85: {  	_ =	shalt  }
0x86: {  	_ =	shalt  }
0x87: {  	_ =	shalt  }
.Lfunc_end0:
.L_simem_size_0:
called_computation_lowered:
.L_overlay_start_0:
0x88: {  	s2 =	sld [smem:$0x3FD9]  }
0x89: {  	s3 =	sld [smem:$0x3FFE];
	_ =	sdelay $0x1  }
0x8a: {  	s1 =	srdreg.scid  }
0x8b: {  	s0 =	sand.u32 $0x1, s1  }
0x8c: {  	s17 =	sshll.u32 s0, $0xA;
	s2 =	sadd.s32 s3, s2  }
0x8d: {  	s2 =	sadd.s32 s2, s17  }
0x8e: {  	[smem:$0x3FC1] =	sst s2  }
0x8f: {  	_ = 	snop  }
0x90: {  	s2 =	sld [smem:$0x3FC9]  }
0x91: {  	s18 =	sld [smem:$0x3FC8]  }
0x92: {  	s4 =	sld [smem:$0x3FC7]  }
0x93: {  	s5 =	sld [smem:$0x3FC6]  }
0x94: {  	s6 =	sld [smem:$0x3FC5]  }
0x95: {  	s7 =	sld [smem:$0x3FC4]  }
0x96: {  	s8 =	sld [smem:$0x3FC3];
	(tm) =	ssettm $0x1  }
0x97: {  	s9 =	sld [smem:$0x3FFB];
	_ =	sdelay $0x3  }
0x98: {  	_ =	strace s9  }
0x99: {  	s9 =	sld [smem:$0x3FFC];
	_ =	sdelay $0x3  }
0x9a: {  	_ =	strace s9  }
0x9b: {  	s9 =	sld [smem:$0x3FFD];
	_ =	sdelay $0x3  }
0x9c: {  	_ =	strace s9  }
0x9d: {  	_ =	strace $0x8FFFFFFF  }
0x9e: {  	s19 =	sld [smem:$0x3FDB];
	_ =	sdelay $0x1  }
0x9f: {  	s10 =	simm.s32 $_scs_section_size  }
0xa0: {  	s11 =	simm.s32 $_size__tile_overlayer_lowered;
	s12 =	simm.s32 $_tile_overlayer_lowered  }
0xa1: {  	s22 =	simm.s32 $0x1BFF;
	s21 =	sshll.u32 s12, $0x1;
	s9 =	sadd.s32 s10, s19  }
0xa2: {  	s13 =	simm.s32 $0x0;
	s20 =	sshll.u32 s11, $0x1;
	s11 =	sadd.s32 s21, s9  }
0xa3: {  	[timem:s13], [sflag:s22] =	dma.local [hbm:s11], s20  }
0xa4: {  	_ =	swait.ge [sflag:s22], s20  }
0xa5: {  	s10 =	ssub.s32 $0x0, s20;
	[sflag:s22] =	ssyncset.done $0x0  }
0xa6: {  	[sflag:s22] =	ssyncadd.s32 s10;
	_ =	sdelay $0x1  }
0xa7: {  	s23 =	simm.s32 $0x1B8B  }
0xa8: {  	_ =	swait.ge [sflag:s23], $0x1  }
0xa9: {  	[sflag:s23] =	ssyncset.done $0x0  }
0xaa: {  	s25 =	simm.s32 $0x1B8E;
	s24 =	sld [smem:$0x3FFE];
	[sflag:s23] =	ssyncadd.s32 $0xFFFFFFFF  }
0xab: {  	s26 =	simm.s32 $execute0_lowered;
	[smem:$0x3FD2] =	sst s25  }
0xac: {  	s11 =	sshll.u32 s26, $0x1;
	_ =	strace $0x80000046;
	[dreg:$0x1] =	wrdreg $0xFFFFFFFF  }
0xad: {  	s28 =	simm.s32 $_size_execute0_lowered;
	s9 =	sadd.s32 s9, s11;
	[dreg:$0x0] =	wrdreg $0x0  }
0xae: {  	s11 =	sshll.u32 s28, $0x1;
	[dreg:$0x2] =	wrdreg s9  }
0xaf: {  	[dreg:$0x3] =	wrdreg s11  }
0xb0: {  	[dreg:$0x4] =	wrdreg $0xC0  }
0xb1: {  	_ =	task [dreg:s13], $0x5FFFF  }
0xb2: {  	[dreg:$0x1] =	wrdreg $0xFFFFFFFF  }
0xb3: {  	[dreg:$0x0] =	wrdreg $0x60  }
0xb4: {  	[dreg:$0x2] =	wrdreg s2  }
0xb5: {  	[dreg:$0x3] =	wrdreg s18  }
0xb6: {  	[dreg:$0x4] =	wrdreg s4  }
0xb7: {  	[dreg:$0x5] =	wrdreg s5  }
0xb8: {  	[dreg:$0x6] =	wrdreg s6  }
0xb9: {  	[dreg:$0x7] =	wrdreg s7  }
0xba: {  	[dreg:$0x8] =	wrdreg s8  }
0xbb: {  	[dreg:$0x9] =	wrdreg s24  }
0xbc: {  	[dreg:$0xa] =	wrdreg $0x9  }
0xbd: {  	_ =	task.clear_ibuf [dreg:s13], $0xBFFFF;
	_ =	strace $0x90000046  }
0xbe: {  	s29 =	simm.s32 $0x9;
	_ =	strace $0x80000048  }
0xbf: {  	_ =	swait.ge [sflag:s29], $0x1  }
0xc0: {  	[sflag:s29] =	ssyncadd.s32 $0xFFFFFFFF  }
0xc1: {  	_ =	strace $0x90000048  }
0xc2: {  	_ =	sfence  }
0xc3: {  	s30 =	sld [smem:$0x0];
	_ =	sdelay $0x2  }
0xc4: {  	s31 =	sshll.u32 s1, $0xD;
	s1 =	sshrl.u32 s1, $0x2  }
0xc5: {  	s3 =	sand.u32 $0x4000, s31;
	s1 =	sadd.s32 s1, s30  }
0xc6: {  	s0 =	sor.u32 s3, s0;
	s1 =	sshll.u32 s1, $0x11  }
0xc7: {  	s0 =	sor.u32 s1, s0  }
0xc8: {  	s0 =	sadd.s32 $0x8F2B, s0  }
0xc9: {  	[sflag:s0] =	ssyncadd.remote.s32 $0x1  }
0xca: {  	_ =	sfence.sel $0xFFFF  }
0xcb: {  	[dreg:$0x0] =	wrdreg $0xFFFFFFFF;
	(pc) =	sbr.abs _section_cstart, $3  }
0xcc: {  	[dreg:$0x1] =	wrdreg $0xFFFFFFFF  }
0xcd: {  	_ =	task.clear_ibuf [dreg:s13], $0x2FFFF;
	_ =	strace $0x9FFFFFFF  }
0xce: {  	(tm) =	ssettm $0x7FFFFFFF  }
0xcf: {  	_ =	shalt  }
tec
execute0_lowered:
.L_overlay_start_1:
0x0: {  	(tag) =	ssettag $0x1  }
0x1: {  	s1 =	rddreg [dreg:$0x0]  }
0x2: {  	s5 =	rddreg [dreg:$0x1]  }
0x3: {  	s7 =	rddreg [dreg:$0x2]  }
0x4: {  	s8 =	rddreg [dreg:$0x3]  }
0x5: {  	s10 =	rddreg [dreg:$0x4]  }
0x6: {  	s11 =	rddreg [dreg:$0x5]  }
0x7: {  	s12 =	rddreg [dreg:$0x6]  }
0x8: {  	s0 =	srdreg.scid;
	s14 =	rddreg [dreg:$0x7];
	s20 =	simm.s32 $0x3C00  }
0x9: {  	s21 =	simm.s32 $0x5000;
	s22 =	simm.s32 $0x6400;
	s4 =	sand.u32 $0x1, s0  }
0xa: {  	s23 =	simm.s32 $0x0;
	s0 =	stileid.u32;
	s2 =	sshll.u32 s4, $0x4  }
0xb: {  	s6 =	sand.u32 $0x1, s0;
	s4 =	ssub.s32 $0x2, s4;
	s29 =	sshll.u32 s0, $0x4  }
0xc: {  	s9 =	sor.u32 s0, s2;
	p1 =	seq.s32 s6, $0x1;
	s2 =	simm.s32 $0x1  }
0xd: {  	s16 =	smul.u32 $0x9C0, s6;
	s17 =	sshrl.u32 s4, $0x1;
	p0 =	seq.s32 s9, $0x0  }
0xe: {  	s28 =	sshll.u32 s6, $0x2;
	s3 =	sshrl.u32 s9, $0x1;
	p0 =	por !p0, !p1  }
0xf: {  	s26 =	ssub.s32 s4, s17;
	s4 =	simm.s32 $0x1;
	p0 =	por !p0, !p0  }
0x10: {  	s30 =	sshll.u32 s9, $0x4;
	s19 =	sadd.s32 $0x9C4, s28;
	s2 =	simm.s32 @!p0 $0x0  }
0x11: {  	s17 =	simm.s32 $0x2800;
	s31 =	sand.u32 $0x180, s30;
	s13 =	ssub.s32 s3, s2  }
0x12: {  	s2 =	rddreg [dreg:$0x8];
	s3 =	simm.s32 $0x0;
	s15 =	smul.u32 $0x1388, s13  }
0x13: {  	v3 =	vmov s19;
	s19 =	simm.s32 $0x13A0;
	[smem:$0x7FF] =	sst s3;
	s18 =	sshll.u32 s13, $0x13  }
0x14: {  	s13 =	sand.u32 $0x70, s29;
	_ =	strace $0x80000047;
	s15 =	sadd.s32 s16, s15  }
0x15: {  	s13 =	sadd.s32 s14, s13;
	s14 =	simm.s32 $0xA00;
	s15 =	sshrl.u32 s15, $0x3  }
0x16: {  	v0 =	vmov s18;
	s18 =	simm.s32 $0x3200;
	s16 =	simm.s32 $0x1E00;
	s5 =	sadd.s32 s5, s15  }
0x17: {  	v2 =	vlaneseq.u32;
	s6 =	sadd.s32 s7, s15;
	s7 =	sadd.s32 s8, s15;
	s8 =	sadd.s32 s10, s15  }
0x18: {  	v4 =	vadd.s32 $0x1, v2;
	v2 =	vor.u32 $0x9C0, v2;
	v1 =	vmov s28;
	s9 =	sadd.s32 s11, s15;
	s10 =	sadd.s32 s12, s15;
	s11 =	sadd.s32 s31, s13  }
0x19: {  	vm1 =	vmmov $0xff;
	vm0 =	vlt.u32 v1, v4;
	vm2 =	vgt.u32 v3, v2;
	s12 =	smax.u32 s26, $0x1;
	s13 =	simm.s32 $0x2;
	s15 =	simm.s32 $0x1400  }
.LBB2_1:
0x1a: {  	[tilespmem:s3], [sflag:$0x2] =	stream.linear.gather [hbm4b:s5+s3], $0x9C8, $0x38;
	[tilespmem:$0x6480] =	vst v63  }
0x1b: {  	_ =	swait.ge [sflag:s13], $0x9C8  }
0x1c: {  	[sflag:s13] =	ssyncset.done $0x0  }
0x1d: {  	[sflag:s13] =	ssyncadd.s32 $0xFFFFF638  }
0x1e: {  	[tilespmem:s14], [sflag:$0x2] =	stream.linear.gather [hbm4b:s6+s3], $0x9C8, $0x38;
	[tilespmem:$0x6480] =	vst v63  }
0x1f: {  	_ =	swait.ge [sflag:s13], $0x9C8  }
0x20: {  	[sflag:s13] =	ssyncset.done $0x0  }
0x21: {  	[sflag:s13] =	ssyncadd.s32 $0xFFFFF638  }
0x22: {  	[tilespmem:s15], [sflag:$0x2] =	stream.linear.gather [hbm4b:s7+s3], $0x9C8, $0x38;
	[tilespmem:$0x6480] =	vst v63  }
0x23: {  	_ =	swait.ge [sflag:s13], $0x9C8  }
0x24: {  	[sflag:s13] =	ssyncset.done $0x0  }
0x25: {  	[sflag:s13] =	ssyncadd.s32 $0xFFFFF638  }
0x26: {  	[tilespmem:s16], [sflag:$0x2] =	stream.linear.gather [hbm4b:s8+s3], $0x9C8, $0x38;
	[tilespmem:$0x6480] =	vst v63  }
0x27: {  	_ =	swait.ge [sflag:s13], $0x9C8  }
0x28: {  	[sflag:s13] =	ssyncset.done $0x0  }
0x29: {  	[sflag:s13] =	ssyncadd.s32 $0xFFFFF638  }
0x2a: {  	[tilespmem:s17], [sflag:$0x2] =	stream.linear.gather [hbm4b:s9+s3], $0x9C8, $0x38;
	[tilespmem:$0x6480] =	vst v63  }
0x2b: {  	_ =	swait.ge [sflag:s13], $0x9C8  }
0x2c: {  	[sflag:s13] =	ssyncset.done $0x0  }
0x2d: {  	[sflag:s13] =	ssyncadd.s32 $0xFFFFF638  }
0x2e: {  	[tilespmem:s18], [sflag:$0x2] =	stream.linear.gather [hbm4b:s10+s3], $0x9C8, $0x38;
	[tilespmem:$0x6480] =	vst v63  }
0x2f: {  	_ =	swait.ge [sflag:s13], $0x9C8  }
0x30: {  	[sflag:s13] =	ssyncset.done $0x0  }
0x31: {  	[sflag:s13] =	ssyncadd.s32 $0xFFFFF638  }
0x32: {  	v1 =	vld [tilespmem:$0xA00]  }
0x33: {  	v2 =	vld [tilespmem:$0x0];
	_ =	sdelay $0x4  }
0x34: {  	v3 =	vshrl.u32 v1, $0x1;
	v1 =	vshll.u32 v1, $0x7;
	v4 =	vshrl.u32 v2, $0x7  }
0x35: {  	v2 =	vand.u32 $0x7F, v2;
	v3 =	vand.u32 $0x3FFFFC, v3;
	v1 =	vand.u32 $0x380, v1  }
0x36: {  	v3 =	vadd.s32 v4, v3;
	v1 =	vor.u32 v1, v2  }
0x37: {  	v2 =	vshll.u32 v3, $0xA;
	v1 =	vor.u32 v0, v1  }
0x38: {  	v1 =	vadd.s32 v2, v1  }
0x39: {  	[tilespmem:$0x3C00] =	vst v1;
	v1 =	vadd.s32 $0x40000, v1  }
0x3a: {  	s24 =	simm.s32 $0x0;
	[tilespmem:$0x45D0] =	vst v1  }
0x3b: {  	v2 =	vld [tilespmem:s24+$0xA10]  }
0x3c: {  	v1 =	vld [tilespmem:s24+$0x10];
	_ =	sdelay $0x3  }
0x3d: {  	v3 =	vshrl.u32 v2, $0x1;
	v2 =	vshll.u32 v2, $0x7  }
0x3e: {  	s25 =	simm.s32 $0x10;
	v4 =	vshrl.u32 v1, $0x7;
	v1 =	vand.u32 $0x7F, v1;
	v2 =	vand.u32 $0x380, v2  }
0x3f: {  	v3 =	vand.u32 $0x3FFFFC, v3;
	v2 =	vor.u32 v2, v1;
	v1 =	vld [tilespmem:s25+$0x10]  }
0x40: {  	v3 =	vadd.s32 v4, v3;
	v4 =	vor.u32 v0, v2;
	v2 =	vld [tilespmem:s25+$0xA10];
	_ =	sdelay $0x1  }
0x41: {  	v3 =	vshll.u32 v3, $0xA  }
0x42: {  	s26 =	simm.s32 $0x80;
	v3 =	vadd.s32 v3, v4  }
.LBB2_2:
0x43: {  	s28 =	sshra.s32 s26, $0x2;
	[tilespmem:s24+$0x3C10] =	vst v3;
	v3 =	vadd.s32 $0x40000, v3;
	v4 =	vmov v1;
	p0 =	sne.s32 s26, $0x2680  }
.Ltmp0:
0x44: {  	s26 =	sadd.s32 $0x40, s26;
	v1 =	vld [tilespmem:s28+$0x10];
	v5 =	vshrl.u32 v2, $0x1;
	v6 =	vshrl.u32 v4, $0x7;
	v7 =	vshll.u32 v2, $0x7;
	[tilespmem:s24+$0x45E0] =	vst v3;
	(pc) =	sbr.rel @p0 .LBB2_2-.Ltmp0, $4  }
0x45: {  	v4 =	vand.u32 $0x7F, v4;
	s24 =	smov.u32 s25;
	s25 =	smov.u32 s28;
	v2 =	vld [tilespmem:s28+$0xA10];
	v3 =	vand.u32 $0x3FFFFC, v5;
	v5 =	vand.u32 $0x380, v7  }
0x46: {  	v3 =	vadd.s32 v6, v3;
	v4 =	vor.u32 v5, v4  }
0x47: {  	v3 =	vshll.u32 v3, $0xA;
	v4 =	vor.u32 v0, v4  }
0x48: {  	v3 =	vadd.s32 v3, v4  }
0x49: {  	_ = 	snop  }
0x4a: {  	v5 =	vshrl.u32 v1, $0x7;
	v4 =	vshrl.u32 v2, $0x1;
	v2 =	vshll.u32 v2, $0x7  }
0x4b: {  	v1 =	vand.u32 $0x7F, v1;
	v4 =	vand.u32 $0x3FFFFC, v4;
	v2 =	vand.u32 $0x380, v2  }
0x4c: {  	v4 =	vadd.s32 v5, v4;
	v1 =	vor.u32 v2, v1  }
0x4d: {  	[tilespmem:s24+$0x3C10] =	vst v3;
	v2 =	vadd.s32 $0x40000, v3;
	v3 =	vshll.u32 v4, $0xA;
	v1 =	vor.u32 v0, v1  }
0x4e: {  	[tilespmem:s24+$0x45E0] =	vst v2;
	v1 =	vadd.s32 v3, v1  }
0x4f: {  	[tilespmem:s25+$0x3C10] =	vst v1;
	v1 =	vadd.s32 $0x40000, v1  }
0x50: {  	[tilespmem:s25+$0x45E0] =	vst v1  }
0x51: {  	v1 =	vld [tilespmem:$0x13C0]  }
0x52: {  	v2 =	vld [tilespmem:$0x9C0];
	_ =	sdelay $0x4  }
0x53: {  	v3 =	vshrl.u32 v1, $0x1;
	v1 =	vshll.u32 v1, $0x7;
	v4 =	vshrl.u32 v2, $0x7  }
0x54: {  	v2 =	vand.u32 $0x7F, v2;
	v3 =	vand.u32 $0x3FFFFC, v3;
	v1 =	vand.u32 $0x380, v1  }
0x55: {  	v3 =	vadd.s32 v4, v3;
	v1 =	vor.u32 v1, v2  }
0x56: {  	v2 =	vshll.u32 v3, $0xA;
	v1 =	vor.u32 v0, v1  }
0x57: {  	v1 =	vadd.s32 v2, v1  }
0x58: {  	v1 =	vnsel vm1, $0x0, v1  }
0x59: {  	[tilespmem:$0x45C0] =	vst v1;
	v1 =	vadd.s32 $0x40000, v1  }
0x5a: {  	[tilespmem:$0x4F90] =	vst v1  }
0x5b: {  	[tilespmem:s21], [sflag:$0x1] =	stream.indirect.gather [hbm4b:s1+s19], $0x1, s20, s19, $0xb8;
	[tilespmem:$0x6480] =	vst v63  }
0x5c: {  	_ =	swait.ge [sflag:s4], $0x13A0  }
0x5d: {  	[sflag:s4] =	ssyncset.done $0x0  }
0x5e: {  	[sflag:s4] =	ssyncadd.s32 $0xFFFFEC60  }
0x5f: {  	v1 =	vld [tilespmem:$0x1400]  }
0x60: {  	v2 =	vld [tilespmem:$0x1E00]  }
0x61: {  	v3 =	vld [tilespmem:$0x2800]  }
0x62: {  	v4 =	vld [tilespmem:$0x3200]  }
0x63: {  	v5 =	vld [tilespmem:$0x5000]  }
0x64: {  	s30 =	simm.s32 $0x0;
	v6 =	vld [tilespmem:$0x59D0];
	v1 =	vcvt.s32.f32 v1  }
0x65: {  	v8 =	vld [tilespmem:s30+$0x1410];
	v2 =	vcvt.s32.f32 v2  }
0x66: {  	v7 =	vld [tilespmem:s30+$0x2810];
	v1 =	vmul.f32 $3.906250000e-03, v1  }
0x67: {  	v9 =	vld [tilespmem:s30+$0x1E10];
	v2 =	vmul.f32 $3.906250000e-03, v2  }
0x68: {  	v10 =	vld [tilespmem:s30+$0x3210];
	v1 =	vadd.f32 $-1.000000000e+00, v1  }
0x69: {  	s31 =	simm.s32 $0x10;
	v11 =	vld [tilespmem:s30+$0x5010];
	v5 =	vmul.f32 v5, v3;
	v2 =	vadd.f32 $-1.000000000e+00, v2  }
0x6a: {  	v12 =	vld [tilespmem:s31+$0x1410];
	v8 =	vcvt.s32.f32 v8;
	v1 =	vmul.f32 v1, v3  }
0x6b: {  	v15 =	vld [tilespmem:s31+$0x5010];
	v3 =	vmul.f32 v6, v4;
	v4 =	vmul.f32 v2, v4  }
0x6c: {  	v9 =	vcvt.s32.f32 v9;
	v6 =	vld [tilespmem:s30+$0x59E0]  }
0x6d: {  	v8 =	vmul.f32 $3.906250000e-03, v8;
	v3 =	vsub.f32 v3, v4;
	v4 =	vld [tilespmem:s31+$0x1E10]  }
0x6e: {  	v16 =	vld [tilespmem:s31+$0x59E0];
	v9 =	vmul.f32 $3.906250000e-03, v9;
	v1 =	vsub.f32 v5, v1  }
0x6f: {  	v11 =	vmul.f32 v11, v7;
	v12 =	vcvt.s32.f32 v12;
	v8 =	vadd.f32 $-1.000000000e+00, v8;
	v2 =	vld [tilespmem:s31+$0x2810]  }
0x70: {  	s24 =	simm.s32 $0x20;
	v9 =	vadd.f32 $-1.000000000e+00, v9;
	v5 =	vld [tilespmem:s31+$0x3210];
	v1 =	vmul.f32 v1, v1;
	v3 =	vmul.f32 v3, v3  }
0x71: {  	v7 =	vmul.f32 v8, v7;
	v8 =	vld [tilespmem:s24+$0x1410];
	v6 =	vmul.f32 v6, v10  }
0x72: {  	v10 =	vmul.f32 v9, v10;
	v1 =	vadd.f32 v3, v1;
	v3 =	vld [tilespmem:s24+$0x2810];
	v13 =	vcvt.s32.f32 v4  }
0x73: {  	v17 =	vmul.f32 $3.906250000e-03, v12;
	v11 =	vsub.f32 v11, v7;
	v9 =	vld [tilespmem:s24+$0x1E10]  }
0x74: {  	v4 =	vld [tilespmem:s24+$0x3210];
	v12 =	vsub.f32 v6, v10;
	v10 =	vmul.f32 v15, v2;
	v14 =	vmul.f32 $3.906250000e-03, v13  }
0x75: {  	s25 =	simm.s32 $0xC0;
	v7 =	vld [tilespmem:s24+$0x5010];
	v6 =	vmul.f32 v16, v5;
	v1 =	vnsel vm0, $0x0, v1;
	v13 =	vadd.f32 $-1.000000000e+00, v17  }
.LBB2_4:
0x76: {  	v15 =	vld [tilespmem:s24+$0x59E0];
	s24 =	sshra.s32 s25, $0x2;
	v14 =	vadd.f32 $-1.000000000e+00, v14;
	v11 =	vmul.f32 v11, v11;
	v12 =	vmul.f32 v12, v12;
	p0 =	sne.s32 s25, $0x2680  }
.Ltmp1:
0x77: {  	v16 =	vcvt.s32.f32 v8;
	v13 =	vmul.f32 v13, v2;
	v2 =	vmov v3;
	v3 =	vld [tilespmem:s24+$0x2810];
	(pc) =	sbr.rel @p0 .LBB2_4-.Ltmp1, $4  }
0x78: {  	s25 =	sadd.s32 $0x40, s25;
	v8 =	vld [tilespmem:s24+$0x1410];
	v17 =	vcvt.s32.f32 v9;
	v18 =	vmul.f32 v14, v5;
	v19 =	vadd.f32 v12, v11  }
0x79: {  	v9 =	vld [tilespmem:s24+$0x1E10];
	v16 =	vmul.f32 $3.906250000e-03, v16;
	v11 =	vsub.f32 v10, v13;
	v5 =	vmov v4  }
0x7a: {  	v4 =	vld [tilespmem:s24+$0x3210];
	v14 =	vmul.f32 $3.906250000e-03, v17;
	v12 =	vsub.f32 v6, v18;
	v1 =	vadd.f32 v19, v1  }
0x7b: {  	v10 =	vmul.f32 v7, v2;
	v13 =	vadd.f32 $-1.000000000e+00, v16;
	v7 =	vld [tilespmem:s24+$0x5010];
	v6 =	vmul.f32 v15, v5  }
0x7c: {  	v15 =	vld [tilespmem:$0x1DC0]  }
0x7d: {  	v16 =	vld [tilespmem:$0x27C0]  }
0x7e: {  	v17 =	vld [tilespmem:s24+$0x59E0]  }
0x7f: {  	v14 =	vadd.f32 $-1.000000000e+00, v14;
	v11 =	vmul.f32 v11, v11;
	v12 =	vmul.f32 v12, v12;
	v50 =	vld [tilespmem:$0x31C0]  }
0x80: {  	v51 =	vld [tilespmem:$0x3BC0];
	v8 =	vcvt.s32.f32 v8;
	v9 =	vcvt.s32.f32 v9  }
0x81: {  	v53 =	vld [tilespmem:$0x59C0];
	v2 =	vmul.f32 v13, v2;
	v5 =	vmul.f32 v14, v5  }
0x82: {  	v55 =	vld [tilespmem:$0x6390];
	v8 =	vmul.f32 $3.906250000e-03, v8;
	v9 =	vmul.f32 $3.906250000e-03, v9  }
0x83: {  	v11 =	vadd.f32 v12, v11;
	v15 =	vcvt.s32.f32 v15;
	v52 =	vcvt.s32.f32 v16  }
0x84: {  	v2 =	vsub.f32 v10, v2;
	v7 =	vmul.f32 v7, v3;
	v56 =	vmul.f32 v17, v4  }
0x85: {  	v8 =	vadd.f32 $-1.000000000e+00, v8;
	v54 =	vmul.f32 $3.906250000e-03, v15;
	v12 =	vmul.f32 $3.906250000e-03, v52  }
0x86: {  	v2 =	vmul.f32 v2, v2;
	v59 =	vmul.f32 v53, v50;
	v9 =	vadd.f32 $-1.000000000e+00, v9  }
0x87: {  	v60 =	vmul.f32 v55, v51;
	v10 =	vadd.f32 $-1.000000000e+00, v54;
	v58 =	vadd.f32 $-1.000000000e+00, v12  }
0x88: {  	v5 =	vsub.f32 v6, v5;
	v3 =	vmul.f32 v8, v3;
	v57 =	vmul.f32 v9, v4  }
0x89: {  	v1 =	vadd.f32 v11, v1;
	v10 =	vmul.f32 v10, v50;
	v9 =	vmul.f32 v58, v51  }
0x8a: {  	v5 =	vmul.f32 v5, v5;
	v3 =	vsub.f32 v7, v3;
	v4 =	vsub.f32 v56, v57  }
0x8b: {  	v6 =	vsub.f32 v59, v10;
	v61 =	vsub.f32 v60, v9  }
0x8c: {  	v2 =	vadd.f32 v5, v2;
	v3 =	vmul.f32 v3, v3;
	v4 =	vmul.f32 v4, v4  }
0x8d: {  	v62 =	vmul.f32 v6, v6;
	v63 =	vmul.f32 v61, v61  }
0x8e: {  	v1 =	vadd.f32 v2, v1;
	v2 =	vadd.f32 v4, v3  }
0x8f: {  	v3 =	vadd.f32 v63, v62  }
0x90: {  	v1 =	vadd.f32 v2, v1  }
0x91: {  	v2 =	vnsel vm2, $0x0, v3  }
0x92: {  	v1 =	vadd.f32 v2, v1;
	_ =	sdelay $0x1  }
0x93: {  	s23 =	sadd.s32 $0x1, s23;
	v1 =	vmul.f32 $6.249999840e-06, v1  }
0x94: {  	p0 =	sne.s32 s23, s12  }
.Ltmp2:
0x95: {  	[tilespmem:$0x6400] =	vst v1;
	(pc) =	sbr.rel @p0 .LBB2_1-.Ltmp2, $4  }
0x96: {  	[hbm4b:s11+s3] =	stream.linear.scatter [tilespmem:s22], [sflag:$0x2], $0x80, $0x38;
	[tilespmem:$0x6480] =	vst v63  }
0x97: {  	_ =	swait.ge [sflag:s13], $0x80  }
0x98: {  	[sflag:s13] =	ssyncset.done $0x0  }
0x99: {  	[sflag:s13] =	ssyncadd.s32 $0xFFFFFF80  }
0x9a: {  	_ =	sfence.sel $0x180000  }
0x9b: {  	[bflag:$0x0] =	sbarrier.arrive $0xFFFF  }
0x9c: {  	p0 =	sne.s32 s0, $0x0;
	_ =	strace $0x90000047  }
0x9d: {  	s0 =	sadd.s32 @!p0 $0x100000, s2;
	[bflag:$0x2] =	sbarrier.arrive $0xFFFF  }
0x9e: {  	[sflag:s0] =	ssyncadd.tile.s32 @!p0 $0x1;
	_ =	shalt  }
.Lfunc_end2:
_tile_overlayer_lowered:
.L_overlay_start_2:
0x9f: {  	(tag) =	ssettag $0x2  }
0xa0: {  	s0 =	rddreg [dreg:$0x0];
	s2 =	stileid.u32  }
0xa1: {  	s1 =	rddreg [dreg:$0x1];
	p0 =	sne.s32 s2, $0x0  }
0xa2: {  	s3 =	rddreg [dreg:$0x2];
	[bflag:$0x3] =	sbarrier.arrive $0xFFFF;
	s2 =	simm.s32 @!p0 $0x1C02  }
0xa3: {  	[timem:s3], [sflag:s2] =	dma.local @!p0 [hbm:s0], s1  }
0xa4: {  	s0 =	simm.s32 @!p0 $0x2  }
0xa5: {  	_ =	swait.ge @!p0 [sflag:s0], s1  }
0xa6: {  	s1 =	ssub.s32 @!p0 $0x0, s1;
	[sflag:s0] =	ssyncset.done @!p0 $0x0  }
0xa7: {  	[sflag:s0] =	ssyncadd.s32 @!p0 s1  }
0xa8: {  	[bflag:$0x3] =	sbarrier.arrive $0xFFFF  }
0xa9: {  	_ =	shalt  }

</sc_bundles>
